<compile_context>
chip_gen: v7x
topology: tpu7x:2x2x1
jax: 0.10.2.dev20260603
libtpu: 0.0.44.dev20260713+nightly
codegen_flags: <defaults>
</compile_context>

<pallas_src>
import functools

import jax
import jax.numpy as jnp
from jax import lax
from jax.experimental import pallas as pl
from jax.experimental.pallas import tpu as pltpu
from jax.experimental.pallas import tpu_sc as plsc

N_NODES = 10000
C_IN = 128
NC, NS = 2, 16
NW = NC * NS
S_TOTAL = 160000
EDGES_PER_W = S_TOTAL // NW
CHUNK = 128
N_CH = EDGES_PER_W // CHUNK
REM = EDGES_PER_W - N_CH * CHUNK
STRIPE = 624
DROWS = 80
L = 16


def _sc_body(x3_hbm, sels_hbm, ei_hbm, outp_hbm, outd_hbm,
             acc, dega, sel2, src3, dst3, rows2, hist, idx80,
             src_r, dst_r8, dst_r16, rows_r, lsem, isem, gsem, ssem):
    c = lax.axis_index("c")
    s = lax.axis_index("s")
    wid = c * NS + s
    base = wid * EDGES_PER_W
    ones = jnp.ones((L,), jnp.float32)
    src_hbm = ei_hbm.at[0]
    dst_hbm = ei_hbm.at[1]
    x_hbm = x3_hbm.at[0]

    def zero_rows(i, _):
        rows2[0, i // (C_IN // L), pl.ds((i % (C_IN // L)) * L, L)] = (
            jnp.zeros((L,), jnp.float32))
        return 0
    lax.fori_loop(0, CHUNK * (C_IN // L), zero_rows, 0)
    r0 = s * STRIPE
    for j in range(5):
        pltpu.sync_copy(rows2.at[0], acc.at[pl.ds(r0 + j * CHUNK, CHUNK)])
    def zero_hist(i, _):
        hist[i // (C_IN // L), pl.ds((i % (C_IN // L)) * L, L)] = (
            jnp.zeros((L,), jnp.float32))
        return 0
    lax.fori_loop(0, DROWS * (C_IN // L), zero_hist, 0)

    @pl.when(s == 0)
    def _():
        pltpu.sync_copy(rows2.at[0, pl.ds(0, DROWS)], dega)
    for k in range(DROWS // L):
        idx80[pl.ds(k * L, L)] = lax.iota(jnp.int32, L) + k * L
    dst_r16[...] = jnp.zeros((L,), jnp.int32)
    plsc.subcore_barrier()

    def drain(sem, src_d, dst_d):
        pltpu.make_async_copy(src_d, dst_d, sem).wait()

    pltpu.sync_copy(sels_hbm.at[pl.ds(base, CHUNK)], sel2.at[0])
    pltpu.sync_copy(sels_hbm.at[pl.ds(base + CHUNK, CHUNK)], sel2.at[1])
    pltpu.sync_copy(src_hbm.at[sel2.at[0]], src3.at[0])
    pltpu.sync_copy(dst_hbm.at[sel2.at[0]], dst3.at[0])
    pltpu.async_copy(src_hbm.at[sel2.at[1]], src3.at[1], isem)
    pltpu.async_copy(dst_hbm.at[sel2.at[1]], dst3.at[1], isem)
    pltpu.async_copy(sels_hbm.at[pl.ds(base + 2 * CHUNK, CHUNK)], sel2.at[0],
                     lsem)
    pltpu.async_copy(x_hbm.at[src3.at[0]], rows2.at[0], gsem)

    def body(i, _):
        b = lax.rem(i, 2)
        b1 = lax.rem(i + 1, 2)
        s0 = lax.rem(i, 3)
        s3 = lax.rem(i + 2, 3)
        drain(gsem, x_hbm.at[pl.ds(0, CHUNK)], rows2.at[b])
        pltpu.async_copy(rows2.at[b], acc.at[dst3.at[s0]], ssem, add=True)

        for k in range(CHUNK // L):
            dv = dst3[s0, pl.ds(k * L, L)]
            plsc.addupdate_scatter(
                hist, [lax.shift_right_logical(dv, 7),
                       lax.bitwise_and(dv, 127)], ones)

        @pl.when(i <= N_CH - 2)
        def _():
            drain(isem, src_hbm.at[pl.ds(0, CHUNK)], src3.at[0])
            drain(isem, src_hbm.at[pl.ds(0, CHUNK)], src3.at[0])

        @pl.when(i >= 1)
        def _():
            drain(ssem, x_hbm.at[pl.ds(0, CHUNK)], rows2.at[0])

        @pl.when(i <= N_CH - 2)
        def _():
            pltpu.async_copy(x_hbm.at[src3.at[lax.rem(i + 1, 3)]],
                             rows2.at[b1], gsem)

        @pl.when(i <= N_CH - 3)
        def _():
            drain(lsem, sels_hbm.at[pl.ds(0, CHUNK)], sel2.at[0])
            pltpu.async_copy(src_hbm.at[sel2.at[b]], src3.at[s3], isem)
            pltpu.async_copy(dst_hbm.at[sel2.at[b]], dst3.at[s3], isem)

        @pl.when(i <= N_CH - 4)
        def _():
            pltpu.async_copy(
                sels_hbm.at[pl.ds(base + (i + 3) * CHUNK, CHUNK)],
                sel2.at[b1], lsem)
        return 0
    lax.fori_loop(0, N_CH, body, 0)

    drain(ssem, x_hbm.at[pl.ds(0, CHUNK)], rows2.at[0])

    o = base + N_CH * CHUNK
    pltpu.sync_copy(sels_hbm.at[pl.ds(o, REM)], sel2.at[0, pl.ds(0, REM)])
    pltpu.sync_copy(src_hbm.at[sel2.at[0, pl.ds(0, REM)]], src_r)
    pltpu.sync_copy(dst_hbm.at[sel2.at[0, pl.ds(0, REM)]], dst_r8)
    pltpu.sync_copy(dst_hbm.at[sel2.at[0, pl.ds(0, REM)]],
                    dst_r16.at[pl.ds(0, REM)])
    pltpu.sync_copy(x_hbm.at[src_r], rows_r)
    pltpu.sync_copy(rows_r, acc.at[dst_r8], add=True)
    dv = dst_r16[...]
    plsc.addupdate_scatter(
        hist, [lax.shift_right_logical(dv, 7), lax.bitwise_and(dv, 127)],
        ones, mask=lax.iota(jnp.int32, L) < REM)

    pltpu.sync_copy(hist, dega.at[idx80], add=True)

    plsc.subcore_barrier()
    for j in range(4):
        pltpu.sync_copy(acc.at[pl.ds(r0 + j * CHUNK, CHUNK)],
                        outp_hbm.at[c, pl.ds(r0 + j * CHUNK, CHUNK)])
    pltpu.sync_copy(acc.at[pl.ds(r0 + 512, 112)],
                    outp_hbm.at[c, pl.ds(r0 + 512, 112)])

    @pl.when(s == NS - 1)
    def _():
        pltpu.sync_copy(acc.at[pl.ds(9984, 16)],
                        outp_hbm.at[c, pl.ds(9984, 16)])

    @pl.when(s == 0)
    def _():
        pltpu.sync_copy(dega, outd_hbm.at[c])


_sc_agg = functools.partial(
    pl.kernel,
    out_type=(jax.ShapeDtypeStruct((NC, N_NODES, C_IN), jnp.float32),
              jax.ShapeDtypeStruct((NC, DROWS, C_IN), jnp.float32)),
    mesh=plsc.VectorSubcoreMesh(core_axis_name="c", subcore_axis_name="s",
                                num_cores=NC, num_subcores=NS),
    compiler_params=pltpu.CompilerParams(use_tc_tiling_on_sc=False,
                                         needs_layout_passes=False),
    scratch_types=(
        pltpu.VMEM_SHARED((N_NODES, C_IN), jnp.float32),
        pltpu.VMEM_SHARED((DROWS, C_IN), jnp.float32),
        pltpu.VMEM((2, CHUNK), jnp.int32),
        pltpu.VMEM((3, CHUNK), jnp.int32),
        pltpu.VMEM((3, CHUNK), jnp.int32),
        pltpu.VMEM((2, CHUNK, C_IN), jnp.float32),
        pltpu.VMEM((DROWS, C_IN), jnp.float32),
        pltpu.VMEM((DROWS,), jnp.int32),
        pltpu.VMEM((REM,), jnp.int32),
        pltpu.VMEM((REM,), jnp.int32),
        pltpu.VMEM((L,), jnp.int32),
        pltpu.VMEM((REM, C_IN), jnp.float32),
        pltpu.SemaphoreType.DMA,
        pltpu.SemaphoreType.DMA,
        pltpu.SemaphoreType.DMA,
        pltpu.SemaphoreType.DMA,
    ),
)(_sc_body)


RB = 1024


def _tc_body(p_ref, d_ref, wz_ref, bz_ref, wh_ref, bh_ref,
             lz_ref, lzb_ref, lh_ref, lhb_ref, out_ref):
    acc = p_ref[0] + p_ref[1]
    dblk = d_ref[0] + d_ref[1]
    rown = lax.broadcasted_iota(jnp.int32, (RB, 8), 0) >> 7
    e8 = (rown == lax.broadcasted_iota(jnp.int32, (RB, 8), 1)).astype(
        jnp.float32)
    rowsel = jnp.dot(e8, dblk, preferred_element_type=jnp.float32)
    lanes = lax.broadcasted_iota(jnp.int32, (RB, C_IN), 0) & (C_IN - 1)
    osel = (lanes == lax.broadcasted_iota(jnp.int32, (RB, C_IN), 1)).astype(
        jnp.float32)
    deg = jnp.sum(rowsel * osel, axis=1, keepdims=True)
    agg = acc * (1.0 / jnp.maximum(deg, 1.0))
    az = jnp.dot(agg, wz_ref[...], preferred_element_type=jnp.float32) + bz_ref[...]
    ah = jnp.dot(agg, wh_ref[...], preferred_element_type=jnp.float32) + bh_ref[...]
    z = jax.nn.sigmoid(
        jnp.dot(az, lz_ref[...], preferred_element_type=jnp.float32) + lzb_ref[...])
    ht = jnp.tanh(
        jnp.dot(ah, lh_ref[...], preferred_element_type=jnp.float32) + lhb_ref[...])
    out_ref[0] = (1.0 - z) * ht


def _tc_gates(partials, deg, Wz, bz, Wh, bh, Lz_top, Lzb, Lh_top, Lhb):
    grid = (N_NODES + RB - 1) // RB
    w_spec = pl.BlockSpec((C_IN, C_IN), lambda i: (0, 0))
    b_spec = pl.BlockSpec((1, C_IN), lambda i: (0, 0))
    return pl.pallas_call(
        _tc_body,
        grid=(grid,),
        in_specs=[
            pl.BlockSpec((NC, RB, C_IN), lambda i: (0, i, 0)),
            pl.BlockSpec((NC, RB // C_IN, C_IN), lambda i: (0, i, 0)),
            w_spec, b_spec, w_spec, b_spec,
            w_spec, b_spec, w_spec, b_spec,
        ],
        out_specs=pl.BlockSpec((1, RB, C_IN), lambda i: (0, i, 0)),
        out_shape=jax.ShapeDtypeStruct((1, N_NODES, C_IN), jnp.float32),
    )(partials, deg, Wz, bz, Wh, bh, Lz_top, Lzb, Lh_top, Lhb)


@jax.jit
def kernel(X, edge_index, selections, Wz, bz, Wr, br, Wh, bh,
           Lz, Lzb, Lr, Lrb, Lh, Lhb):
    sels = selections.astype(jnp.int32)
    ei = edge_index.astype(jnp.int32)

    partials, degp = _sc_agg(X, sels, ei)

    return _tc_gates(partials, degp, Wz, bz.reshape(1, C_IN),
                     Wh, bh.reshape(1, C_IN),
                     Lz[:C_IN], Lzb.reshape(1, C_IN),
                     Lh[:C_IN], Lhb.reshape(1, C_IN))

# --- scband reference (transcript-rebuilt; emitter-appended) ---
"""Pipeline reference for scband-sel-tgcn-5566277616473 (READ-ONLY COPY).

The authoritative reference and input builder live on the scoring server;
editing this copy changes nothing except your own understanding.
"""

import jax, jax.numpy as jnp
import numpy as np

B, N, E, S, C, O = 1, 10000, 320000, 160000, 128, 128


def setup_inputs(seed: int = 0) -> dict:
    key = jax.random.key(seed)
    ks = jax.random.split(key, 16)
    X = jax.random.normal(ks[0], (B, N, C), dtype=jnp.float32)
    edge_index = jax.random.randint(ks[1], (2, E), 0, N, dtype=jnp.int64)
    selections = jax.random.randint(ks[2], (S,), 0, E, dtype=jnp.int64)
    s = 0.05
    Wz = jax.random.normal(ks[3], (C, O), jnp.float32) * s
    bz = jnp.zeros((O,), jnp.float32)
    Wr = jax.random.normal(ks[4], (C, O), jnp.float32) * s
    br = jnp.zeros((O,), jnp.float32)
    Wh = jax.random.normal(ks[5], (C, O), jnp.float32) * s
    bh = jnp.zeros((O,), jnp.float32)
    Lz = jax.random.normal(ks[6], (2 * O, O), jnp.float32) * s
    Lzb = jnp.zeros((O,), jnp.float32)
    Lr = jax.random.normal(ks[7], (2 * O, O), jnp.float32) * s
    Lrb = jnp.zeros((O,), jnp.float32)
    Lh = jax.random.normal(ks[8], (2 * O, O), jnp.float32) * s
    Lhb = jnp.zeros((O,), jnp.float32)
    return {"X": X, "edge_index": edge_index, "selections": selections,
            "Wz": Wz, "bz": bz, "Wr": Wr, "br": br, "Wh": Wh, "bh": bh,
            "Lz": Lz, "Lzb": Lzb, "Lr": Lr, "Lrb": Lrb, "Lh": Lh, "Lhb": Lhb}


def sel_gcn(X, edge_index, selections, W, b):
    # SelGCN: GCN-style message passing restricted to the selected edge subset.
    ei = edge_index[:, selections]          # [2, S] gather of edges
    src, dst = ei[0], ei[1]
    msgs = X[:, src, :]                     # gather node features [B, S, C]
    agg = jnp.zeros(X.shape, X.dtype).at[:, dst, :].add(msgs)  # scatter-add
    deg = jnp.zeros((X.shape[1],), X.dtype).at[dst].add(1.0)
    deg = jnp.clip(deg, 1.0, None)
    agg = agg / deg[None, :, None]
    return agg @ W + b


def reference(X, edge_index, selections, Wz, bz, Wr, br, Wh, bh, Lz, Lzb, Lr, Lrb, Lh, Lhb):
    H = jnp.zeros((X.shape[0], X.shape[1], O), X.dtype)
    Z = jax.nn.sigmoid(jnp.concatenate([sel_gcn(X, edge_index, selections, Wz, bz), H], axis=2) @ Lz + Lzb)
    R = jax.nn.sigmoid(jnp.concatenate([sel_gcn(X, edge_index, selections, Wr, br), H], axis=2) @ Lr + Lrb)
    H_tilde = jnp.tanh(jnp.concatenate([sel_gcn(X, edge_index, selections, Wh, bh), H * R], axis=2) @ Lh + Lhb)
    H_new = Z * H + (1.0 - Z) * H_tilde
    return H_new

if __name__ == "__main__":
    import jax
    _d = setup_inputs()
    print(jax.jit(kernel)(*tuple(_d.values())))

</pallas_src>

<mosaic_0001>
#map = affine_map<(d0, d1) -> (0, 0, 0)>
#map1 = affine_map<(d0, d1) -> (0)>
#map2 = affine_map<(d0, d1) -> (0, 0)>
module attributes {stable_mosaic.version = 14 : i64} {
  func.func @_sc_body(%arg0: i32, %arg1: i32, %arg2: memref<1x10000x128xf32, #tpu.memory_space<hbm>>, %arg3: memref<160000xi32, #tpu.memory_space<hbm>>, %arg4: memref<2x320000xi32, #tpu.memory_space<hbm>>, %arg5: memref<2x10000x128xf32, #tpu.memory_space<hbm>>, %arg6: memref<2x80x128xf32, #tpu.memory_space<hbm>>, %arg7: memref<10000x128xf32, #tpu.memory_space<vmem_shared>>, %arg8: memref<80x128xf32, #tpu.memory_space<vmem_shared>>, %arg9: memref<2x128xi32, #tpu.memory_space<vmem>>, %arg10: memref<3x128xi32, #tpu.memory_space<vmem>>, %arg11: memref<3x128xi32, #tpu.memory_space<vmem>>, %arg12: memref<2x128x128xf32, #tpu.memory_space<vmem>>, %arg13: memref<80x128xf32, #tpu.memory_space<vmem>>, %arg14: memref<80xi32, #tpu.memory_space<vmem>>, %arg15: memref<8xi32, #tpu.memory_space<vmem>>, %arg16: memref<8xi32, #tpu.memory_space<vmem>>, %arg17: memref<16xi32, #tpu.memory_space<vmem>>, %arg18: memref<8x128xf32, #tpu.memory_space<vmem>>, %arg19: memref<!tpu.dma_semaphore, #tpu.memory_space<semaphore_mem>>, %arg20: memref<!tpu.dma_semaphore, #tpu.memory_space<semaphore_mem>>, %arg21: memref<!tpu.dma_semaphore, #tpu.memory_space<semaphore_mem>>, %arg22: memref<!tpu.dma_semaphore, #tpu.memory_space<semaphore_mem>>) attributes {dimension_semantics = [#tpu.dimension_semantics<core_parallel>, #tpu.dimension_semantics<subcore_parallel>], iteration_bounds = array<i64: 2, 16>, scalar_prefetch = 0 : i64, scratch_operands = 16 : i64, tpu.core_type = #tpu.core_type<sc_vector_subcore>, window_params = [{transform_indices = #map}, {transform_indices = #map1}, {transform_indices = #map2}, {transform_indices = #map}, {transform_indices = #map}]} {
    %mul3A = arith.constant 16 : i32
    %mul3A_0 = arith.muli %arg0, %mul3A : i32
    %add3A = arith.addi %mul3A_0, %arg1 : i32
    %mul3A_1 = arith.constant 5000 : i32
    %mul3A_2 = arith.muli %add3A, %mul3A_1 : i32
    %broadcast_in_dim3A = arith.constant 1.000000e+00 : f32
    %broadcast_in_dim3A_3 = vector.broadcast %broadcast_in_dim3A : f32 to vector<16xf32>
    %scan3A = arith.constant 0 : i32
    %scan3A_4 = arith.constant 0 : i32
    %scan3A_5 = arith.constant 1024 : i32
    %scan3A_6 = arith.addi %scan3A_4, %scan3A_5 : i32
    %scan3A_7 = arith.constant 1 : i32
    %scan3A_8 = scf.for %scan3A_214 = %scan3A_4 to %scan3A_6 step %scan3A_7 iter_args(%scan3A_215 = %scan3A) -> (i32)  : i32 {
      %broadcast_in_dim3A_216 = arith.constant 0.000000e+00 : f32
      %broadcast_in_dim3A_217 = vector.broadcast %broadcast_in_dim3A_216 : f32 to vector<16xf32>
      %jit3A = arith.constant 8 : i32
      %div3A = arith.divsi %scan3A_214, %jit3A : i32
      %sign3A = arith.constant 0 : i32
      %sign3A_218 = arith.cmpi sgt, %scan3A_214, %sign3A : i32
      %sign3A_219 = arith.extui %sign3A_218 : i1 to i32
      %sign3A_220 = arith.constant 0 : i32
      %sign3A_221 = arith.cmpi slt, %scan3A_214, %sign3A_220 : i32
      %sign3A_222 = arith.extui %sign3A_221 : i1 to i32
      %sign3A_223 = arith.subi %sign3A_219, %sign3A_222 : i32
      %sign3A_224 = arith.constant 0 : i32
      %sign3A_225 = arith.cmpi sgt, %jit3A, %sign3A_224 : i32
      %sign3A_226 = arith.extui %sign3A_225 : i1 to i32
      %sign3A_227 = arith.constant 0 : i32
      %sign3A_228 = arith.cmpi slt, %jit3A, %sign3A_227 : i32
      %sign3A_229 = arith.extui %sign3A_228 : i1 to i32
      %sign3A_230 = arith.subi %sign3A_226, %sign3A_229 : i32
      %ne3A = arith.cmpi ne, %sign3A_223, %sign3A_230 : i32
      %rem3A = arith.remsi %scan3A_214, %jit3A : i32
      %ne3A_231 = arith.constant 0 : i32
      %ne3A_232 = arith.cmpi ne, %rem3A, %ne3A_231 : i32
      %and3A_233 = arith.andi %ne3A, %ne3A_232 : i1
      %sub3A = arith.constant 1 : i32
      %sub3A_234 = arith.subi %div3A, %sub3A : i32
      %select_n3A = arith.select %and3A_233, %sub3A_234, %div3A : i32
      %jit3A_235 = arith.constant 8 : i32
      %eq3A_236 = arith.constant 0 : i32
      %eq3A_237 = arith.cmpi eq, %jit3A_235, %eq3A_236 : i32
      %jit3A_238 = arith.constant 1 : i32
      %select_n3A_239 = arith.select %eq3A_237, %jit3A_238, %jit3A_235 : i32
      %rem3A_240 = arith.remsi %scan3A_214, %select_n3A_239 : i32
      %ne3A_241 = arith.constant 0 : i32
      %ne3A_242 = arith.cmpi ne, %rem3A_240, %ne3A_241 : i32
      %lt3A_243 = arith.constant 0 : i32
      %lt3A_244 = arith.cmpi slt, %rem3A_240, %lt3A_243 : i32
      %lt3A_245 = arith.constant 0 : i32
      %lt3A_246 = arith.cmpi slt, %select_n3A_239, %lt3A_245 : i32
      %ne3A_247 = arith.xori %lt3A_244, %lt3A_246 : i1
      %and3A_248 = arith.andi %ne3A_247, %ne3A_242 : i1
      %add3A_249 = arith.addi %rem3A_240, %select_n3A_239 : i32
      %select_n3A_250 = arith.select %and3A_248, %add3A_249, %rem3A_240 : i32
      %mul3A_251 = arith.constant 16 : i32
      %mul3A_252 = arith.muli %select_n3A_250, %mul3A_251 : i32
      %swap3A_253 = arith.constant 0 : i32
      %swap3A_254 = arith.index_cast %swap3A_253 : i32 to index
      %swap3A_255 = arith.index_cast %select_n3A : i32 to index
      %swap3A_256 = arith.index_cast %mul3A_252 : i32 to index
      %swap3A_257 = tpu.vector_load %arg12[%swap3A_254, %swap3A_255, %swap3A_256] {strides = array<i32>} : memref<2x128x128xf32, #tpu.memory_space<vmem>>, vector<16xf32>,
      tpu.vector_store %arg12[%swap3A_254, %swap3A_255, %swap3A_256], %broadcast_in_dim3A_217 {strides = array<i32>} : memref<2x128x128xf32, #tpu.memory_space<vmem>>, vector<16xf32>,
      %scan3A_258 = arith.constant 0 : i32
      scf.yield %scan3A_258 : i32
    }
    %scan3A_9 = arith.constant 1024 : i32
    %mul3A_10 = arith.constant 624 : i32
    %mul3A_11 = arith.muli %arg1, %mul3A_10 : i32
    %add3A_12 = arith.constant 0 : i32
    %add3A_13 = arith.addi %mul3A_11, %add3A_12 : i32
    %run_scoped3A = arith.constant 0 : i32
    "tpu.region"() ({
      %run_scoped3A_214 = tpu.sem_alloc : memref<!tpu.dma_semaphore, #tpu.memory_space<semaphore_mem>>
      %dma_start3A_215 = arith.constant 0 : i32
      %dma_start3A_216 = arith.constant 0 : i32
      %dma_start3A_217 = tpu.memref_slice %arg12[%run_scoped3A, %dma_start3A_215, %dma_start3A_216] : memref<2x128x128xf32, #tpu.memory_space<vmem>> -> memref<1x128x128xf32, #tpu.memory_space<vmem>>
      %dma_start3A_218 = tpu.memref_squeeze %dma_start3A_217 : memref<1x128x128xf32, #tpu.memory_space<vmem>> -> memref<128x128xf32, #tpu.memory_space<vmem>>
      %dma_start3A_219 = arith.constant 0 : i32
      %dma_start3A_220 = tpu.memref_slice %arg7[%add3A_13, %dma_start3A_219] : memref<10000x128xf32, #tpu.memory_space<vmem_shared>> -> memref<128x128xf32, #tpu.memory_space<vmem_shared>>
      %dma_start3A_221 = arith.constant 0 : i32
      %dma_start3A_222 = tpu.memref_slice %arg7[%add3A_13, %dma_start3A_221] : memref<10000x128xf32, #tpu.memory_space<vmem_shared>> -> memref<128x128xf32, #tpu.memory_space<vmem_shared>>
      %dma_start3A_223 = arith.constant 0 : i32
      %dma_start3A_224 = arith.constant 0 : i32
      %dma_start3A_225 = tpu.memref_slice %arg12[%run_scoped3A, %dma_start3A_223, %dma_start3A_224] : memref<2x128x128xf32, #tpu.memory_space<vmem>> -> memref<1x128x128xf32, #tpu.memory_space<vmem>>
      %dma_start3A_226 = tpu.memref_squeeze %dma_start3A_225 : memref<1x128x128xf32, #tpu.memory_space<vmem>> -> memref<128x128xf32, #tpu.memory_space<vmem>>
      tpu.enqueue_dma source(%dma_start3A_226 : memref<128x128xf32, #tpu.memory_space<vmem>>) target(%dma_start3A_222 : memref<128x128xf32, #tpu.memory_space<vmem_shared>>) target_semaphore(%run_scoped3A_214 : memref<!tpu.dma_semaphore, #tpu.memory_space<semaphore_mem>>)
      %dma_wait3A_227 = arith.constant 0 : i32
      %dma_wait3A_228 = arith.constant 0 : i32
      %dma_wait3A_229 = tpu.memref_slice %arg12[%run_scoped3A, %dma_wait3A_227, %dma_wait3A_228] : memref<2x128x128xf32, #tpu.memory_space<vmem>> -> memref<1x128x128xf32, #tpu.memory_space<vmem>>
      %dma_wait3A_230 = tpu.memref_squeeze %dma_wait3A_229 : memref<1x128x128xf32, #tpu.memory_space<vmem>> -> memref<128x128xf32, #tpu.memory_space<vmem>>
      %dma_wait3A_231 = arith.constant 0 : i32
      %dma_wait3A_232 = tpu.memref_slice %arg7[%add3A_13, %dma_wait3A_231] : memref<10000x128xf32, #tpu.memory_space<vmem_shared>> -> memref<128x128xf32, #tpu.memory_space<vmem_shared>>
      %dma_wait3A_233 = arith.constant 0 : i32
      %dma_wait3A_234 = tpu.memref_slice %arg7[%add3A_13, %dma_wait3A_233] : memref<10000x128xf32, #tpu.memory_space<vmem_shared>> -> memref<128x128xf32, #tpu.memory_space<vmem_shared>>
      %dma_wait3A_235 = arith.constant 0 : i32
      %dma_wait3A_236 = arith.constant 0 : i32
      %dma_wait3A_237 = tpu.memref_slice %arg12[%run_scoped3A, %dma_wait3A_235, %dma_wait3A_236] : memref<2x128x128xf32, #tpu.memory_space<vmem>> -> memref<1x128x128xf32, #tpu.memory_space<vmem>>
      %dma_wait3A_238 = tpu.memref_squeeze %dma_wait3A_237 : memref<1x128x128xf32, #tpu.memory_space<vmem>> -> memref<128x128xf32, #tpu.memory_space<vmem>>
      tpu.wait_dma2 semaphore(%run_scoped3A_214 : memref<!tpu.dma_semaphore, #tpu.memory_space<semaphore_mem>>) src(%dma_wait3A_238 : memref<128x128xf32, #tpu.memory_space<vmem>>) dst(%dma_wait3A_234 : memref<128x128xf32, #tpu.memory_space<vmem_shared>>)
      tpu.yield
    }) : () -> ()
    %add3A_14 = arith.constant 128 : i32
    %add3A_15 = arith.addi %mul3A_11, %add3A_14 : i32
    %run_scoped3A_16 = arith.constant 0 : i32
    "tpu.region"() ({
      %run_scoped3A_214 = tpu.sem_alloc : memref<!tpu.dma_semaphore, #tpu.memory_space<semaphore_mem>>
      %dma_start3A_215 = arith.constant 0 : i32
      %dma_start3A_216 = arith.constant 0 : i32
      %dma_start3A_217 = tpu.memref_slice %arg12[%run_scoped3A_16, %dma_start3A_215, %dma_start3A_216] : memref<2x128x128xf32, #tpu.memory_space<vmem>> -> memref<1x128x128xf32, #tpu.memory_space<vmem>>
      %dma_start3A_218 = tpu.memref_squeeze %dma_start3A_217 : memref<1x128x128xf32, #tpu.memory_space<vmem>> -> memref<128x128xf32, #tpu.memory_space<vmem>>
      %dma_start3A_219 = arith.constant 0 : i32
      %dma_start3A_220 = tpu.memref_slice %arg7[%add3A_15, %dma_start3A_219] : memref<10000x128xf32, #tpu.memory_space<vmem_shared>> -> memref<128x128xf32, #tpu.memory_space<vmem_shared>>
      %dma_start3A_221 = arith.constant 0 : i32
      %dma_start3A_222 = tpu.memref_slice %arg7[%add3A_15, %dma_start3A_221] : memref<10000x128xf32, #tpu.memory_space<vmem_shared>> -> memref<128x128xf32, #tpu.memory_space<vmem_shared>>
      %dma_start3A_223 = arith.constant 0 : i32
      %dma_start3A_224 = arith.constant 0 : i32
      %dma_start3A_225 = tpu.memref_slice %arg12[%run_scoped3A_16, %dma_start3A_223, %dma_start3A_224] : memref<2x128x128xf32, #tpu.memory_space<vmem>> -> memref<1x128x128xf32, #tpu.memory_space<vmem>>
      %dma_start3A_226 = tpu.memref_squeeze %dma_start3A_225 : memref<1x128x128xf32, #tpu.memory_space<vmem>> -> memref<128x128xf32, #tpu.memory_space<vmem>>
      tpu.enqueue_dma source(%dma_start3A_226 : memref<128x128xf32, #tpu.memory_space<vmem>>) target(%dma_start3A_222 : memref<128x128xf32, #tpu.memory_space<vmem_shared>>) target_semaphore(%run_scoped3A_214 : memref<!tpu.dma_semaphore, #tpu.memory_space<semaphore_mem>>)
      %dma_wait3A_227 = arith.constant 0 : i32
      %dma_wait3A_228 = arith.constant 0 : i32
      %dma_wait3A_229 = tpu.memref_slice %arg12[%run_scoped3A_16, %dma_wait3A_227, %dma_wait3A_228] : memref<2x128x128xf32, #tpu.memory_space<vmem>> -> memref<1x128x128xf32, #tpu.memory_space<vmem>>
      %dma_wait3A_230 = tpu.memref_squeeze %dma_wait3A_229 : memref<1x128x128xf32, #tpu.memory_space<vmem>> -> memref<128x128xf32, #tpu.memory_space<vmem>>
      %dma_wait3A_231 = arith.constant 0 : i32
      %dma_wait3A_232 = tpu.memref_slice %arg7[%add3A_15, %dma_wait3A_231] : memref<10000x128xf32, #tpu.memory_space<vmem_shared>> -> memref<128x128xf32, #tpu.memory_space<vmem_shared>>
      %dma_wait3A_233 = arith.constant 0 : i32
      %dma_wait3A_234 = tpu.memref_slice %arg7[%add3A_15, %dma_wait3A_233] : memref<10000x128xf32, #tpu.memory_space<vmem_shared>> -> memref<128x128xf32, #tpu.memory_space<vmem_shared>>
      %dma_wait3A_235 = arith.constant 0 : i32
      %dma_wait3A_236 = arith.constant 0 : i32
      %dma_wait3A_237 = tpu.memref_slice %arg12[%run_scoped3A_16, %dma_wait3A_235, %dma_wait3A_236] : memref<2x128x128xf32, #tpu.memory_space<vmem>> -> memref<1x128x128xf32, #tpu.memory_space<vmem>>
      %dma_wait3A_238 = tpu.memref_squeeze %dma_wait3A_237 : memref<1x128x128xf32, #tpu.memory_space<vmem>> -> memref<128x128xf32, #tpu.memory_space<vmem>>
      tpu.wait_dma2 semaphore(%run_scoped3A_214 : memref<!tpu.dma_semaphore, #tpu.memory_space<semaphore_mem>>) src(%dma_wait3A_238 : memref<128x128xf32, #tpu.memory_space<vmem>>) dst(%dma_wait3A_234 : memref<128x128xf32, #tpu.memory_space<vmem_shared>>)
      tpu.yield
    }) : () -> ()
    %add3A_17 = arith.constant 256 : i32
    %add3A_18 = arith.addi %mul3A_11, %add3A_17 : i32
    %run_scoped3A_19 = arith.constant 0 : i32
    "tpu.region"() ({
      %run_scoped3A_214 = tpu.sem_alloc : memref<!tpu.dma_semaphore, #tpu.memory_space<semaphore_mem>>
      %dma_start3A_215 = arith.constant 0 : i32
      %dma_start3A_216 = arith.constant 0 : i32
      %dma_start3A_217 = tpu.memref_slice %arg12[%run_scoped3A_19, %dma_start3A_215, %dma_start3A_216] : memref<2x128x128xf32, #tpu.memory_space<vmem>> -> memref<1x128x128xf32, #tpu.memory_space<vmem>>
      %dma_start3A_218 = tpu.memref_squeeze %dma_start3A_217 : memref<1x128x128xf32, #tpu.memory_space<vmem>> -> memref<128x128xf32, #tpu.memory_space<vmem>>
      %dma_start3A_219 = arith.constant 0 : i32
      %dma_start3A_220 = tpu.memref_slice %arg7[%add3A_18, %dma_start3A_219] : memref<10000x128xf32, #tpu.memory_space<vmem_shared>> -> memref<128x128xf32, #tpu.memory_space<vmem_shared>>
      %dma_start3A_221 = arith.constant 0 : i32
      %dma_start3A_222 = tpu.memref_slice %arg7[%add3A_18, %dma_start3A_221] : memref<10000x128xf32, #tpu.memory_space<vmem_shared>> -> memref<128x128xf32, #tpu.memory_space<vmem_shared>>
      %dma_start3A_223 = arith.constant 0 : i32
      %dma_start3A_224 = arith.constant 0 : i32
      %dma_start3A_225 = tpu.memref_slice %arg12[%run_scoped3A_19, %dma_start3A_223, %dma_start3A_224] : memref<2x128x128xf32, #tpu.memory_space<vmem>> -> memref<1x128x128xf32, #tpu.memory_space<vmem>>
      %dma_start3A_226 = tpu.memref_squeeze %dma_start3A_225 : memref<1x128x128xf32, #tpu.memory_space<vmem>> -> memref<128x128xf32, #tpu.memory_space<vmem>>
      tpu.enqueue_dma source(%dma_start3A_226 : memref<128x128xf32, #tpu.memory_space<vmem>>) target(%dma_start3A_222 : memref<128x128xf32, #tpu.memory_space<vmem_shared>>) target_semaphore(%run_scoped3A_214 : memref<!tpu.dma_semaphore, #tpu.memory_space<semaphore_mem>>)
      %dma_wait3A_227 = arith.constant 0 : i32
      %dma_wait3A_228 = arith.constant 0 : i32
      %dma_wait3A_229 = tpu.memref_slice %arg12[%run_scoped3A_19, %dma_wait3A_227, %dma_wait3A_228] : memref<2x128x128xf32, #tpu.memory_space<vmem>> -> memref<1x128x128xf32, #tpu.memory_space<vmem>>
      %dma_wait3A_230 = tpu.memref_squeeze %dma_wait3A_229 : memref<1x128x128xf32, #tpu.memory_space<vmem>> -> memref<128x128xf32, #tpu.memory_space<vmem>>
      %dma_wait3A_231 = arith.constant 0 : i32
      %dma_wait3A_232 = tpu.memref_slice %arg7[%add3A_18, %dma_wait3A_231] : memref<10000x128xf32, #tpu.memory_space<vmem_shared>> -> memref<128x128xf32, #tpu.memory_space<vmem_shared>>
      %dma_wait3A_233 = arith.constant 0 : i32
      %dma_wait3A_234 = tpu.memref_slice %arg7[%add3A_18, %dma_wait3A_233] : memref<10000x128xf32, #tpu.memory_space<vmem_shared>> -> memref<128x128xf32, #tpu.memory_space<vmem_shared>>
      %dma_wait3A_235 = arith.constant 0 : i32
      %dma_wait3A_236 = arith.constant 0 : i32
      %dma_wait3A_237 = tpu.memref_slice %arg12[%run_scoped3A_19, %dma_wait3A_235, %dma_wait3A_236] : memref<2x128x128xf32, #tpu.memory_space<vmem>> -> memref<1x128x128xf32, #tpu.memory_space<vmem>>
      %dma_wait3A_238 = tpu.memref_squeeze %dma_wait3A_237 : memref<1x128x128xf32, #tpu.memory_space<vmem>> -> memref<128x128xf32, #tpu.memory_space<vmem>>
      tpu.wait_dma2 semaphore(%run_scoped3A_214 : memref<!tpu.dma_semaphore, #tpu.memory_space<semaphore_mem>>) src(%dma_wait3A_238 : memref<128x128xf32, #tpu.memory_space<vmem>>) dst(%dma_wait3A_234 : memref<128x128xf32, #tpu.memory_space<vmem_shared>>)
      tpu.yield
    }) : () -> ()
    %add3A_20 = arith.constant 384 : i32
    %add3A_21 = arith.addi %mul3A_11, %add3A_20 : i32
    %run_scoped3A_22 = arith.constant 0 : i32
    "tpu.region"() ({
      %run_scoped3A_214 = tpu.sem_alloc : memref<!tpu.dma_semaphore, #tpu.memory_space<semaphore_mem>>
      %dma_start3A_215 = arith.constant 0 : i32
      %dma_start3A_216 = arith.constant 0 : i32
      %dma_start3A_217 = tpu.memref_slice %arg12[%run_scoped3A_22, %dma_start3A_215, %dma_start3A_216] : memref<2x128x128xf32, #tpu.memory_space<vmem>> -> memref<1x128x128xf32, #tpu.memory_space<vmem>>
      %dma_start3A_218 = tpu.memref_squeeze %dma_start3A_217 : memref<1x128x128xf32, #tpu.memory_space<vmem>> -> memref<128x128xf32, #tpu.memory_space<vmem>>
      %dma_start3A_219 = arith.constant 0 : i32
      %dma_start3A_220 = tpu.memref_slice %arg7[%add3A_21, %dma_start3A_219] : memref<10000x128xf32, #tpu.memory_space<vmem_shared>> -> memref<128x128xf32, #tpu.memory_space<vmem_shared>>
      %dma_start3A_221 = arith.constant 0 : i32
      %dma_start3A_222 = tpu.memref_slice %arg7[%add3A_21, %dma_start3A_221] : memref<10000x128xf32, #tpu.memory_space<vmem_shared>> -> memref<128x128xf32, #tpu.memory_space<vmem_shared>>
      %dma_start3A_223 = arith.constant 0 : i32
      %dma_start3A_224 = arith.constant 0 : i32
      %dma_start3A_225 = tpu.memref_slice %arg12[%run_scoped3A_22, %dma_start3A_223, %dma_start3A_224] : memref<2x128x128xf32, #tpu.memory_space<vmem>> -> memref<1x128x128xf32, #tpu.memory_space<vmem>>
      %dma_start3A_226 = tpu.memref_squeeze %dma_start3A_225 : memref<1x128x128xf32, #tpu.memory_space<vmem>> -> memref<128x128xf32, #tpu.memory_space<vmem>>
      tpu.enqueue_dma source(%dma_start3A_226 : memref<128x128xf32, #tpu.memory_space<vmem>>) target(%dma_start3A_222 : memref<128x128xf32, #tpu.memory_space<vmem_shared>>) target_semaphore(%run_scoped3A_214 : memref<!tpu.dma_semaphore, #tpu.memory_space<semaphore_mem>>)
      %dma_wait3A_227 = arith.constant 0 : i32
      %dma_wait3A_228 = arith.constant 0 : i32
      %dma_wait3A_229 = tpu.memref_slice %arg12[%run_scoped3A_22, %dma_wait3A_227, %dma_wait3A_228] : memref<2x128x128xf32, #tpu.memory_space<vmem>> -> memref<1x128x128xf32, #tpu.memory_space<vmem>>
      %dma_wait3A_230 = tpu.memref_squeeze %dma_wait3A_229 : memref<1x128x128xf32, #tpu.memory_space<vmem>> -> memref<128x128xf32, #tpu.memory_space<vmem>>
      %dma_wait3A_231 = arith.constant 0 : i32
      %dma_wait3A_232 = tpu.memref_slice %arg7[%add3A_21, %dma_wait3A_231] : memref<10000x128xf32, #tpu.memory_space<vmem_shared>> -> memref<128x128xf32, #tpu.memory_space<vmem_shared>>
      %dma_wait3A_233 = arith.constant 0 : i32
      %dma_wait3A_234 = tpu.memref_slice %arg7[%add3A_21, %dma_wait3A_233] : memref<10000x128xf32, #tpu.memory_space<vmem_shared>> -> memref<128x128xf32, #tpu.memory_space<vmem_shared>>
      %dma_wait3A_235 = arith.constant 0 : i32
      %dma_wait3A_236 = arith.constant 0 : i32
      %dma_wait3A_237 = tpu.memref_slice %arg12[%run_scoped3A_22, %dma_wait3A_235, %dma_wait3A_236] : memref<2x128x128xf32, #tpu.memory_space<vmem>> -> memref<1x128x128xf32, #tpu.memory_space<vmem>>
      %dma_wait3A_238 = tpu.memref_squeeze %dma_wait3A_237 : memref<1x128x128xf32, #tpu.memory_space<vmem>> -> memref<128x128xf32, #tpu.memory_space<vmem>>
      tpu.wait_dma2 semaphore(%run_scoped3A_214 : memref<!tpu.dma_semaphore, #tpu.memory_space<semaphore_mem>>) src(%dma_wait3A_238 : memref<128x128xf32, #tpu.memory_space<vmem>>) dst(%dma_wait3A_234 : memref<128x128xf32, #tpu.memory_space<vmem_shared>>)
      tpu.yield
    }) : () -> ()
    %add3A_23 = arith.constant 512 : i32
    %add3A_24 = arith.addi %mul3A_11, %add3A_23 : i32
    %run_scoped3A_25 = arith.constant 0 : i32
    "tpu.region"() ({
      %run_scoped3A_214 = tpu.sem_alloc : memref<!tpu.dma_semaphore, #tpu.memory_space<semaphore_mem>>
      %dma_start3A_215 = arith.constant 0 : i32
      %dma_start3A_216 = arith.constant 0 : i32
      %dma_start3A_217 = tpu.memref_slice %arg12[%run_scoped3A_25, %dma_start3A_215, %dma_start3A_216] : memref<2x128x128xf32, #tpu.memory_space<vmem>> -> memref<1x128x128xf32, #tpu.memory_space<vmem>>
      %dma_start3A_218 = tpu.memref_squeeze %dma_start3A_217 : memref<1x128x128xf32, #tpu.memory_space<vmem>> -> memref<128x128xf32, #tpu.memory_space<vmem>>
      %dma_start3A_219 = arith.constant 0 : i32
      %dma_start3A_220 = tpu.memref_slice %arg7[%add3A_24, %dma_start3A_219] : memref<10000x128xf32, #tpu.memory_space<vmem_shared>> -> memref<128x128xf32, #tpu.memory_space<vmem_shared>>
      %dma_start3A_221 = arith.constant 0 : i32
      %dma_start3A_222 = tpu.memref_slice %arg7[%add3A_24, %dma_start3A_221] : memref<10000x128xf32, #tpu.memory_space<vmem_shared>> -> memref<128x128xf32, #tpu.memory_space<vmem_shared>>
      %dma_start3A_223 = arith.constant 0 : i32
      %dma_start3A_224 = arith.constant 0 : i32
      %dma_start3A_225 = tpu.memref_slice %arg12[%run_scoped3A_25, %dma_start3A_223, %dma_start3A_224] : memref<2x128x128xf32, #tpu.memory_space<vmem>> -> memref<1x128x128xf32, #tpu.memory_space<vmem>>
      %dma_start3A_226 = tpu.memref_squeeze %dma_start3A_225 : memref<1x128x128xf32, #tpu.memory_space<vmem>> -> memref<128x128xf32, #tpu.memory_space<vmem>>
      tpu.enqueue_dma source(%dma_start3A_226 : memref<128x128xf32, #tpu.memory_space<vmem>>) target(%dma_start3A_222 : memref<128x128xf32, #tpu.memory_space<vmem_shared>>) target_semaphore(%run_scoped3A_214 : memref<!tpu.dma_semaphore, #tpu.memory_space<semaphore_mem>>)
      %dma_wait3A_227 = arith.constant 0 : i32
      %dma_wait3A_228 = arith.constant 0 : i32
      %dma_wait3A_229 = tpu.memref_slice %arg12[%run_scoped3A_25, %dma_wait3A_227, %dma_wait3A_228] : memref<2x128x128xf32, #tpu.memory_space<vmem>> -> memref<1x128x128xf32, #tpu.memory_space<vmem>>
      %dma_wait3A_230 = tpu.memref_squeeze %dma_wait3A_229 : memref<1x128x128xf32, #tpu.memory_space<vmem>> -> memref<128x128xf32, #tpu.memory_space<vmem>>
      %dma_wait3A_231 = arith.constant 0 : i32
      %dma_wait3A_232 = tpu.memref_slice %arg7[%add3A_24, %dma_wait3A_231] : memref<10000x128xf32, #tpu.memory_space<vmem_shared>> -> memref<128x128xf32, #tpu.memory_space<vmem_shared>>
      %dma_wait3A_233 = arith.constant 0 : i32
      %dma_wait3A_234 = tpu.memref_slice %arg7[%add3A_24, %dma_wait3A_233] : memref<10000x128xf32, #tpu.memory_space<vmem_shared>> -> memref<128x128xf32, #tpu.memory_space<vmem_shared>>
      %dma_wait3A_235 = arith.constant 0 : i32
      %dma_wait3A_236 = arith.constant 0 : i32
      %dma_wait3A_237 = tpu.memref_slice %arg12[%run_scoped3A_25, %dma_wait3A_235, %dma_wait3A_236] : memref<2x128x128xf32, #tpu.memory_space<vmem>> -> memref<1x128x128xf32, #tpu.memory_space<vmem>>
      %dma_wait3A_238 = tpu.memref_squeeze %dma_wait3A_237 : memref<1x128x128xf32, #tpu.memory_space<vmem>> -> memref<128x128xf32, #tpu.memory_space<vmem>>
      tpu.wait_dma2 semaphore(%run_scoped3A_214 : memref<!tpu.dma_semaphore, #tpu.memory_space<semaphore_mem>>) src(%dma_wait3A_238 : memref<128x128xf32, #tpu.memory_space<vmem>>) dst(%dma_wait3A_234 : memref<128x128xf32, #tpu.memory_space<vmem_shared>>)
      tpu.yield
    }) : () -> ()
    %scan3A_26 = arith.constant 0 : i32
    %scan3A_27 = arith.constant 0 : i32
    %scan3A_28 = arith.constant 640 : i32
    %scan3A_29 = arith.addi %scan3A_27, %scan3A_28 : i32
    %scan3A_30 = arith.constant 1 : i32
    %scan3A_31 = scf.for %scan3A_214 = %scan3A_27 to %scan3A_29 step %scan3A_30 iter_args(%scan3A_215 = %scan3A_26) -> (i32)  : i32 {
      %broadcast_in_dim3A_216 = arith.constant 0.000000e+00 : f32
      %broadcast_in_dim3A_217 = vector.broadcast %broadcast_in_dim3A_216 : f32 to vector<16xf32>
      %jit3A = arith.constant 8 : i32
      %div3A = arith.divsi %scan3A_214, %jit3A : i32
      %sign3A = arith.constant 0 : i32
      %sign3A_218 = arith.cmpi sgt, %scan3A_214, %sign3A : i32
      %sign3A_219 = arith.extui %sign3A_218 : i1 to i32
      %sign3A_220 = arith.constant 0 : i32
      %sign3A_221 = arith.cmpi slt, %scan3A_214, %sign3A_220 : i32
      %sign3A_222 = arith.extui %sign3A_221 : i1 to i32
      %sign3A_223 = arith.subi %sign3A_219, %sign3A_222 : i32
      %sign3A_224 = arith.constant 0 : i32
      %sign3A_225 = arith.cmpi sgt, %jit3A, %sign3A_224 : i32
      %sign3A_226 = arith.extui %sign3A_225 : i1 to i32
      %sign3A_227 = arith.constant 0 : i32
      %sign3A_228 = arith.cmpi slt, %jit3A, %sign3A_227 : i32
      %sign3A_229 = arith.extui %sign3A_228 : i1 to i32
      %sign3A_230 = arith.subi %sign3A_226, %sign3A_229 : i32
      %ne3A = arith.cmpi ne, %sign3A_223, %sign3A_230 : i32
      %rem3A = arith.remsi %scan3A_214, %jit3A : i32
      %ne3A_231 = arith.constant 0 : i32
      %ne3A_232 = arith.cmpi ne, %rem3A, %ne3A_231 : i32
      %and3A_233 = arith.andi %ne3A, %ne3A_232 : i1
      %sub3A = arith.constant 1 : i32
      %sub3A_234 = arith.subi %div3A, %sub3A : i32
      %select_n3A = arith.select %and3A_233, %sub3A_234, %div3A : i32
      %jit3A_235 = arith.constant 8 : i32
      %eq3A_236 = arith.constant 0 : i32
      %eq3A_237 = arith.cmpi eq, %jit3A_235, %eq3A_236 : i32
      %jit3A_238 = arith.constant 1 : i32
      %select_n3A_239 = arith.select %eq3A_237, %jit3A_238, %jit3A_235 : i32
      %rem3A_240 = arith.remsi %scan3A_214, %select_n3A_239 : i32
      %ne3A_241 = arith.constant 0 : i32
      %ne3A_242 = arith.cmpi ne, %rem3A_240, %ne3A_241 : i32
      %lt3A_243 = arith.constant 0 : i32
      %lt3A_244 = arith.cmpi slt, %rem3A_240, %lt3A_243 : i32
      %lt3A_245 = arith.constant 0 : i32
      %lt3A_246 = arith.cmpi slt, %select_n3A_239, %lt3A_245 : i32
      %ne3A_247 = arith.xori %lt3A_244, %lt3A_246 : i1
      %and3A_248 = arith.andi %ne3A_247, %ne3A_242 : i1
      %add3A_249 = arith.addi %rem3A_240, %select_n3A_239 : i32
      %select_n3A_250 = arith.select %and3A_248, %add3A_249, %rem3A_240 : i32
      %mul3A_251 = arith.constant 16 : i32
      %mul3A_252 = arith.muli %select_n3A_250, %mul3A_251 : i32
      %swap3A_253 = arith.index_cast %select_n3A : i32 to index
      %swap3A_254 = arith.index_cast %mul3A_252 : i32 to index
      %swap3A_255 = tpu.vector_load %arg13[%swap3A_253, %swap3A_254] {strides = array<i32>} : memref<80x128xf32, #tpu.memory_space<vmem>>, vector<16xf32>,
      tpu.vector_store %arg13[%swap3A_253, %swap3A_254], %broadcast_in_dim3A_217 {strides = array<i32>} : memref<80x128xf32, #tpu.memory_space<vmem>>, vector<16xf32>,
      %scan3A_256 = arith.constant 0 : i32
      scf.yield %scan3A_256 : i32
    }
    %scan3A_32 = arith.constant 640 : i32
    %eq3A = arith.constant 0 : i32
    %eq3A_33 = arith.cmpi eq, %arg1, %eq3A : i32
    %convert_element_type3A = arith.extui %eq3A_33 : i1 to i32
    %cond3A = arith.constant 0 : i32
    %cond3A_34 = arith.cmpi ne, %convert_element_type3A, %cond3A : i32
    scf.if %cond3A_34 {
      %run_scoped3A_214 = arith.constant 0 : i32
      "tpu.region"() ({
        %run_scoped3A_215 = tpu.sem_alloc : memref<!tpu.dma_semaphore, #tpu.memory_space<semaphore_mem>>
        %dma_start3A_216 = arith.constant 0 : i32
        %dma_start3A_217 = arith.constant 0 : i32
        %dma_start3A_218 = tpu.memref_slice %arg12[%run_scoped3A_214, %dma_start3A_216, %dma_start3A_217] : memref<2x128x128xf32, #tpu.memory_space<vmem>> -> memref<1x80x128xf32, #tpu.memory_space<vmem>>
        %dma_start3A_219 = tpu.memref_squeeze %dma_start3A_218 : memref<1x80x128xf32, #tpu.memory_space<vmem>> -> memref<80x128xf32, #tpu.memory_space<vmem>>
        %dma_start3A_220 = arith.constant 0 : i32
        %dma_start3A_221 = arith.constant 0 : i32
        %dma_start3A_222 = tpu.memref_slice %arg12[%run_scoped3A_214, %dma_start3A_220, %dma_start3A_221] : memref<2x128x128xf32, #tpu.memory_space<vmem>> -> memref<1x80x128xf32, #tpu.memory_space<vmem>>
        %dma_start3A_223 = tpu.memref_squeeze %dma_start3A_222 : memref<1x80x128xf32, #tpu.memory_space<vmem>> -> memref<80x128xf32, #tpu.memory_space<vmem>>
        tpu.enqueue_dma source(%dma_start3A_223 : memref<80x128xf32, #tpu.memory_space<vmem>>) target(%arg8 : memref<80x128xf32, #tpu.memory_space<vmem_shared>>) target_semaphore(%run_scoped3A_215 : memref<!tpu.dma_semaphore, #tpu.memory_space<semaphore_mem>>)
        %dma_wait3A_224 = arith.constant 0 : i32
        %dma_wait3A_225 = arith.constant 0 : i32
        %dma_wait3A_226 = tpu.memref_slice %arg12[%run_scoped3A_214, %dma_wait3A_224, %dma_wait3A_225] : memref<2x128x128xf32, #tpu.memory_space<vmem>> -> memref<1x80x128xf32, #tpu.memory_space<vmem>>
        %dma_wait3A_227 = tpu.memref_squeeze %dma_wait3A_226 : memref<1x80x128xf32, #tpu.memory_space<vmem>> -> memref<80x128xf32, #tpu.memory_space<vmem>>
        %dma_wait3A_228 = arith.constant 0 : i32
        %dma_wait3A_229 = arith.constant 0 : i32
        %dma_wait3A_230 = tpu.memref_slice %arg12[%run_scoped3A_214, %dma_wait3A_228, %dma_wait3A_229] : memref<2x128x128xf32, #tpu.memory_space<vmem>> -> memref<1x80x128xf32, #tpu.memory_space<vmem>>
        %dma_wait3A_231 = tpu.memref_squeeze %dma_wait3A_230 : memref<1x80x128xf32, #tpu.memory_space<vmem>> -> memref<80x128xf32, #tpu.memory_space<vmem>>
        tpu.wait_dma2 semaphore(%run_scoped3A_215 : memref<!tpu.dma_semaphore, #tpu.memory_space<semaphore_mem>>) src(%dma_wait3A_231 : memref<80x128xf32, #tpu.memory_space<vmem>>) dst(%arg8 : memref<80x128xf32, #tpu.memory_space<vmem_shared>>)
        tpu.yield
      }) : () -> ()
    } else {
    }
    %iota3A = tpu.iota {dimensions = array<i32: 0>} : vector<16xi32>
    %add3A_35 = arith.constant 0 : i32
    %add3A_36 = vector.broadcast %add3A_35 : i32 to vector<16xi32>
    %add3A_37 = arith.addi %iota3A, %add3A_36 : vector<16xi32>
    %swap3A = arith.constant 0 : index
    %swap3A_38 = tpu.vector_load %arg14[%swap3A] {strides = array<i32>} : memref<80xi32, #tpu.memory_space<vmem>>, vector<16xi32>,
    tpu.vector_store %arg14[%swap3A], %add3A_37 {strides = array<i32>} : memref<80xi32, #tpu.memory_space<vmem>>, vector<16xi32>,
    %iota3A_39 = tpu.iota {dimensions = array<i32: 0>} : vector<16xi32>
    %add3A_40 = arith.constant 16 : i32
    %add3A_41 = vector.broadcast %add3A_40 : i32 to vector<16xi32>
    %add3A_42 = arith.addi %iota3A_39, %add3A_41 : vector<16xi32>
    %swap3A_43 = arith.constant 16 : index
    %swap3A_44 = tpu.vector_load %arg14[%swap3A_43] {strides = array<i32>} : memref<80xi32, #tpu.memory_space<vmem>>, vector<16xi32>,
    tpu.vector_store %arg14[%swap3A_43], %add3A_42 {strides = array<i32>} : memref<80xi32, #tpu.memory_space<vmem>>, vector<16xi32>,
    %iota3A_45 = tpu.iota {dimensions = array<i32: 0>} : vector<16xi32>
    %add3A_46 = arith.constant 32 : i32
    %add3A_47 = vector.broadcast %add3A_46 : i32 to vector<16xi32>
    %add3A_48 = arith.addi %iota3A_45, %add3A_47 : vector<16xi32>
    %swap3A_49 = arith.constant 32 : index
    %swap3A_50 = tpu.vector_load %arg14[%swap3A_49] {strides = array<i32>} : memref<80xi32, #tpu.memory_space<vmem>>, vector<16xi32>,
    tpu.vector_store %arg14[%swap3A_49], %add3A_48 {strides = array<i32>} : memref<80xi32, #tpu.memory_space<vmem>>, vector<16xi32>,
    %iota3A_51 = tpu.iota {dimensions = array<i32: 0>} : vector<16xi32>
    %add3A_52 = arith.constant 48 : i32
    %add3A_53 = vector.broadcast %add3A_52 : i32 to vector<16xi32>
    %add3A_54 = arith.addi %iota3A_51, %add3A_53 : vector<16xi32>
    %swap3A_55 = arith.constant 48 : index
    %swap3A_56 = tpu.vector_load %arg14[%swap3A_55] {strides = array<i32>} : memref<80xi32, #tpu.memory_space<vmem>>, vector<16xi32>,
    tpu.vector_store %arg14[%swap3A_55], %add3A_54 {strides = array<i32>} : memref<80xi32, #tpu.memory_space<vmem>>, vector<16xi32>,
    %iota3A_57 = tpu.iota {dimensions = array<i32: 0>} : vector<16xi32>
    %add3A_58 = arith.constant 64 : i32
    %add3A_59 = vector.broadcast %add3A_58 : i32 to vector<16xi32>
    %add3A_60 = arith.addi %iota3A_57, %add3A_59 : vector<16xi32>
    %swap3A_61 = arith.constant 64 : index
    %swap3A_62 = tpu.vector_load %arg14[%swap3A_61] {strides = array<i32>} : memref<80xi32, #tpu.memory_space<vmem>>, vector<16xi32>,
    tpu.vector_store %arg14[%swap3A_61], %add3A_60 {strides = array<i32>} : memref<80xi32, #tpu.memory_space<vmem>>, vector<16xi32>,
    %broadcast_in_dim3A_63 = arith.constant 0 : i32
    %broadcast_in_dim3A_64 = vector.broadcast %broadcast_in_dim3A_63 : i32 to vector<16xi32>
    %swap3A_65 = arith.constant 0 : index
    %swap3A_66 = tpu.vector_load %arg17[%swap3A_65] {strides = array<i32>} : memref<16xi32, #tpu.memory_space<vmem>>, vector<16xi32>,
    tpu.vector_store %arg17[%swap3A_65], %broadcast_in_dim3A_64 {strides = array<i32>} : memref<16xi32, #tpu.memory_space<vmem>>, vector<16xi32>,
    %barrier3A = arith.constant 0 : index
    tpu.barrier barrier_id(%barrier3A)
    %run_scoped3A_67 = arith.constant 0 : i32
    "tpu.region"() ({
      %run_scoped3A_214 = tpu.sem_alloc : memref<!tpu.dma_semaphore, #tpu.memory_space<semaphore_mem>>
      %dma_start3A_215 = arith.constant 0 : i32
      %dma_start3A_216 = tpu.memref_slice %arg9[%run_scoped3A_67, %dma_start3A_215] : memref<2x128xi32, #tpu.memory_space<vmem>> -> memref<1x128xi32, #tpu.memory_space<vmem>>
      %dma_start3A_217 = tpu.memref_squeeze %dma_start3A_216 : memref<1x128xi32, #tpu.memory_space<vmem>> -> memref<128xi32, #tpu.memory_space<vmem>>
      %dma_start3A_218 = tpu.memref_slice %arg3[%mul3A_2] : memref<160000xi32, #tpu.memory_space<hbm>> -> memref<128xi32, #tpu.memory_space<hbm>>
      %dma_start3A_219 = arith.constant 0 : i32
      %dma_start3A_220 = tpu.memref_slice %arg9[%run_scoped3A_67, %dma_start3A_219] : memref<2x128xi32, #tpu.memory_space<vmem>> -> memref<1x128xi32, #tpu.memory_space<vmem>>
      %dma_start3A_221 = tpu.memref_squeeze %dma_start3A_220 : memref<1x128xi32, #tpu.memory_space<vmem>> -> memref<128xi32, #tpu.memory_space<vmem>>
      %dma_start3A_222 = tpu.memref_slice %arg3[%mul3A_2] : memref<160000xi32, #tpu.memory_space<hbm>> -> memref<128xi32, #tpu.memory_space<hbm>>
      tpu.enqueue_dma source(%dma_start3A_222 : memref<128xi32, #tpu.memory_space<hbm>>) target(%dma_start3A_221 : memref<128xi32, #tpu.memory_space<vmem>>) target_semaphore(%run_scoped3A_214 : memref<!tpu.dma_semaphore, #tpu.memory_space<semaphore_mem>>)
      %dma_wait3A_223 = arith.constant 0 : i32
      %dma_wait3A_224 = tpu.memref_slice %arg9[%run_scoped3A_67, %dma_wait3A_223] : memref<2x128xi32, #tpu.memory_space<vmem>> -> memref<1x128xi32, #tpu.memory_space<vmem>>
      %dma_wait3A_225 = tpu.memref_squeeze %dma_wait3A_224 : memref<1x128xi32, #tpu.memory_space<vmem>> -> memref<128xi32, #tpu.memory_space<vmem>>
      %dma_wait3A_226 = tpu.memref_slice %arg3[%mul3A_2] : memref<160000xi32, #tpu.memory_space<hbm>> -> memref<128xi32, #tpu.memory_space<hbm>>
      %dma_wait3A_227 = arith.constant 0 : i32
      %dma_wait3A_228 = tpu.memref_slice %arg9[%run_scoped3A_67, %dma_wait3A_227] : memref<2x128xi32, #tpu.memory_space<vmem>> -> memref<1x128xi32, #tpu.memory_space<vmem>>
      %dma_wait3A_229 = tpu.memref_squeeze %dma_wait3A_228 : memref<1x128xi32, #tpu.memory_space<vmem>> -> memref<128xi32, #tpu.memory_space<vmem>>
      %dma_wait3A_230 = tpu.memref_slice %arg3[%mul3A_2] : memref<160000xi32, #tpu.memory_space<hbm>> -> memref<128xi32, #tpu.memory_space<hbm>>
      tpu.wait_dma2 semaphore(%run_scoped3A_214 : memref<!tpu.dma_semaphore, #tpu.memory_space<semaphore_mem>>) src(%dma_wait3A_230 : memref<128xi32, #tpu.memory_space<hbm>>) dst(%dma_wait3A_229 : memref<128xi32, #tpu.memory_space<vmem>>)
      tpu.yield
    }) : () -> ()
    %add3A_68 = arith.constant 128 : i32
    %add3A_69 = arith.addi %mul3A_2, %add3A_68 : i32
    %run_scoped3A_70 = arith.constant 1 : i32
    "tpu.region"() ({
      %run_scoped3A_214 = tpu.sem_alloc : memref<!tpu.dma_semaphore, #tpu.memory_space<semaphore_mem>>
      %dma_start3A_215 = arith.constant 0 : i32
      %dma_start3A_216 = tpu.memref_slice %arg9[%run_scoped3A_70, %dma_start3A_215] : memref<2x128xi32, #tpu.memory_space<vmem>> -> memref<1x128xi32, #tpu.memory_space<vmem>>
      %dma_start3A_217 = tpu.memref_squeeze %dma_start3A_216 : memref<1x128xi32, #tpu.memory_space<vmem>> -> memref<128xi32, #tpu.memory_space<vmem>>
      %dma_start3A_218 = tpu.memref_slice %arg3[%add3A_69] : memref<160000xi32, #tpu.memory_space<hbm>> -> memref<128xi32, #tpu.memory_space<hbm>>
      %dma_start3A_219 = arith.constant 0 : i32
      %dma_start3A_220 = tpu.memref_slice %arg9[%run_scoped3A_70, %dma_start3A_219] : memref<2x128xi32, #tpu.memory_space<vmem>> -> memref<1x128xi32, #tpu.memory_space<vmem>>
      %dma_start3A_221 = tpu.memref_squeeze %dma_start3A_220 : memref<1x128xi32, #tpu.memory_space<vmem>> -> memref<128xi32, #tpu.memory_space<vmem>>
      %dma_start3A_222 = tpu.memref_slice %arg3[%add3A_69] : memref<160000xi32, #tpu.memory_space<hbm>> -> memref<128xi32, #tpu.memory_space<hbm>>
      tpu.enqueue_dma source(%dma_start3A_222 : memref<128xi32, #tpu.memory_space<hbm>>) target(%dma_start3A_221 : memref<128xi32, #tpu.memory_space<vmem>>) target_semaphore(%run_scoped3A_214 : memref<!tpu.dma_semaphore, #tpu.memory_space<semaphore_mem>>)
      %dma_wait3A_223 = arith.constant 0 : i32
      %dma_wait3A_224 = tpu.memref_slice %arg9[%run_scoped3A_70, %dma_wait3A_223] : memref<2x128xi32, #tpu.memory_space<vmem>> -> memref<1x128xi32, #tpu.memory_space<vmem>>
      %dma_wait3A_225 = tpu.memref_squeeze %dma_wait3A_224 : memref<1x128xi32, #tpu.memory_space<vmem>> -> memref<128xi32, #tpu.memory_space<vmem>>
      %dma_wait3A_226 = tpu.memref_slice %arg3[%add3A_69] : memref<160000xi32, #tpu.memory_space<hbm>> -> memref<128xi32, #tpu.memory_space<hbm>>
      %dma_wait3A_227 = arith.constant 0 : i32
      %dma_wait3A_228 = tpu.memref_slice %arg9[%run_scoped3A_70, %dma_wait3A_227] : memref<2x128xi32, #tpu.memory_space<vmem>> -> memref<1x128xi32, #tpu.memory_space<vmem>>
      %dma_wait3A_229 = tpu.memref_squeeze %dma_wait3A_228 : memref<1x128xi32, #tpu.memory_space<vmem>> -> memref<128xi32, #tpu.memory_space<vmem>>
      %dma_wait3A_230 = tpu.memref_slice %arg3[%add3A_69] : memref<160000xi32, #tpu.memory_space<hbm>> -> memref<128xi32, #tpu.memory_space<hbm>>
      tpu.wait_dma2 semaphore(%run_scoped3A_214 : memref<!tpu.dma_semaphore, #tpu.memory_space<semaphore_mem>>) src(%dma_wait3A_230 : memref<128xi32, #tpu.memory_space<hbm>>) dst(%dma_wait3A_229 : memref<128xi32, #tpu.memory_space<vmem>>)
      tpu.yield
    }) : () -> ()
    %run_scoped3A_71 = arith.constant 0 : i32
    %run_scoped3A_72 = arith.constant 0 : i32
    %run_scoped3A_73 = arith.constant 0 : i32
    "tpu.region"() ({
      %run_scoped3A_214 = tpu.sem_alloc : memref<!tpu.dma_semaphore, #tpu.memory_space<semaphore_mem>>
      %dma_start3A_215 = arith.constant 0 : i32
      %dma_start3A_216 = tpu.memref_slice %arg10[%run_scoped3A_73, %dma_start3A_215] : memref<3x128xi32, #tpu.memory_space<vmem>> -> memref<1x128xi32, #tpu.memory_space<vmem>>
      %dma_start3A_217 = tpu.memref_squeeze %dma_start3A_216 : memref<1x128xi32, #tpu.memory_space<vmem>> -> memref<128xi32, #tpu.memory_space<vmem>>
      %dma_start3A_218 = arith.constant 0 : i32
      %dma_start3A_219 = tpu.memref_slice %arg9[%run_scoped3A_72, %dma_start3A_218] : memref<2x128xi32, #tpu.memory_space<vmem>> -> memref<1x128xi32, #tpu.memory_space<vmem>>
      %dma_start3A_220 = tpu.memref_squeeze %dma_start3A_219 : memref<1x128xi32, #tpu.memory_space<vmem>> -> memref<128xi32, #tpu.memory_space<vmem>>
      %dma_start3A_221 = arith.constant 0 : i32
      %dma_start3A_222 = tpu.memref_slice %arg4[%run_scoped3A_71, %dma_start3A_221] : memref<2x320000xi32, #tpu.memory_space<hbm>> -> memref<1x320000xi32, #tpu.memory_space<hbm>>
      %dma_start3A_223 = tpu.memref_squeeze %dma_start3A_222 : memref<1x320000xi32, #tpu.memory_space<hbm>> -> memref<320000xi32, #tpu.memory_space<hbm>>
      %dma_start3A_224 = arith.constant 0 : i32
      %dma_start3A_225 = tpu.memref_slice %dma_start3A_223[%dma_start3A_224] : memref<320000xi32, #tpu.memory_space<hbm>> -> memref<320000xi32, #tpu.memory_space<hbm>>
      tpu.enqueue_indirect_dma source(%dma_start3A_225 : memref<320000xi32, #tpu.memory_space<hbm>>) target(%dma_start3A_217 : memref<128xi32, #tpu.memory_space<vmem>>) offsets(%dma_start3A_220 : memref<128xi32, #tpu.memory_space<vmem>>) semaphore(%run_scoped3A_214 : memref<!tpu.dma_semaphore, #tpu.memory_space<semaphore_mem>>)
      %dma_wait3A_226 = arith.constant 0 : i32
      %dma_wait3A_227 = tpu.memref_slice %arg10[%run_scoped3A_73, %dma_wait3A_226] : memref<3x128xi32, #tpu.memory_space<vmem>> -> memref<1x128xi32, #tpu.memory_space<vmem>>
      %dma_wait3A_228 = tpu.memref_squeeze %dma_wait3A_227 : memref<1x128xi32, #tpu.memory_space<vmem>> -> memref<128xi32, #tpu.memory_space<vmem>>
      %dma_wait3A_229 = arith.constant 0 : i32
      %dma_wait3A_230 = tpu.memref_slice %arg9[%run_scoped3A_72, %dma_wait3A_229] : memref<2x128xi32, #tpu.memory_space<vmem>> -> memref<1x128xi32, #tpu.memory_space<vmem>>
      %dma_wait3A_231 = tpu.memref_squeeze %dma_wait3A_230 : memref<1x128xi32, #tpu.memory_space<vmem>> -> memref<128xi32, #tpu.memory_space<vmem>>
      %dma_wait3A_232 = arith.constant 0 : i32
      %dma_wait3A_233 = tpu.memref_slice %arg4[%run_scoped3A_71, %dma_wait3A_232] : memref<2x320000xi32, #tpu.memory_space<hbm>> -> memref<1x320000xi32, #tpu.memory_space<hbm>>
      %dma_wait3A_234 = tpu.memref_squeeze %dma_wait3A_233 : memref<1x320000xi32, #tpu.memory_space<hbm>> -> memref<320000xi32, #tpu.memory_space<hbm>>
      %dma_wait3A_235 = arith.constant 0 : i32
      %dma_wait3A_236 = tpu.memref_slice %dma_wait3A_234[%dma_wait3A_235] : memref<320000xi32, #tpu.memory_space<hbm>> -> memref<320000xi32, #tpu.memory_space<hbm>>
      tpu.wait_indirect_dma semaphore(%run_scoped3A_214 : memref<!tpu.dma_semaphore, #tpu.memory_space<semaphore_mem>>) src(%dma_wait3A_236 : memref<320000xi32, #tpu.memory_space<hbm>>) dst(%dma_wait3A_228 : memref<128xi32, #tpu.memory_space<vmem>>)
      tpu.yield
    }) : () -> ()
    %run_scoped3A_74 = arith.constant 1 : i32
    %run_scoped3A_75 = arith.constant 0 : i32
    %run_scoped3A_76 = arith.constant 0 : i32
    "tpu.region"() ({
      %run_scoped3A_214 = tpu.sem_alloc : memref<!tpu.dma_semaphore, #tpu.memory_space<semaphore_mem>>
      %dma_start3A_215 = arith.constant 0 : i32
      %dma_start3A_216 = tpu.memref_slice %arg11[%run_scoped3A_76, %dma_start3A_215] : memref<3x128xi32, #tpu.memory_space<vmem>> -> memref<1x128xi32, #tpu.memory_space<vmem>>
      %dma_start3A_217 = tpu.memref_squeeze %dma_start3A_216 : memref<1x128xi32, #tpu.memory_space<vmem>> -> memref<128xi32, #tpu.memory_space<vmem>>
      %dma_start3A_218 = arith.constant 0 : i32
      %dma_start3A_219 = tpu.memref_slice %arg9[%run_scoped3A_75, %dma_start3A_218] : memref<2x128xi32, #tpu.memory_space<vmem>> -> memref<1x128xi32, #tpu.memory_space<vmem>>
      %dma_start3A_220 = tpu.memref_squeeze %dma_start3A_219 : memref<1x128xi32, #tpu.memory_space<vmem>> -> memref<128xi32, #tpu.memory_space<vmem>>
      %dma_start3A_221 = arith.constant 0 : i32
      %dma_start3A_222 = tpu.memref_slice %arg4[%run_scoped3A_74, %dma_start3A_221] : memref<2x320000xi32, #tpu.memory_space<hbm>> -> memref<1x320000xi32, #tpu.memory_space<hbm>>
      %dma_start3A_223 = tpu.memref_squeeze %dma_start3A_222 : memref<1x320000xi32, #tpu.memory_space<hbm>> -> memref<320000xi32, #tpu.memory_space<hbm>>
      %dma_start3A_224 = arith.constant 0 : i32
      %dma_start3A_225 = tpu.memref_slice %dma_start3A_223[%dma_start3A_224] : memref<320000xi32, #tpu.memory_space<hbm>> -> memref<320000xi32, #tpu.memory_space<hbm>>
      tpu.enqueue_indirect_dma source(%dma_start3A_225 : memref<320000xi32, #tpu.memory_space<hbm>>) target(%dma_start3A_217 : memref<128xi32, #tpu.memory_space<vmem>>) offsets(%dma_start3A_220 : memref<128xi32, #tpu.memory_space<vmem>>) semaphore(%run_scoped3A_214 : memref<!tpu.dma_semaphore, #tpu.memory_space<semaphore_mem>>)
      %dma_wait3A_226 = arith.constant 0 : i32
      %dma_wait3A_227 = tpu.memref_slice %arg11[%run_scoped3A_76, %dma_wait3A_226] : memref<3x128xi32, #tpu.memory_space<vmem>> -> memref<1x128xi32, #tpu.memory_space<vmem>>
      %dma_wait3A_228 = tpu.memref_squeeze %dma_wait3A_227 : memref<1x128xi32, #tpu.memory_space<vmem>> -> memref<128xi32, #tpu.memory_space<vmem>>
      %dma_wait3A_229 = arith.constant 0 : i32
      %dma_wait3A_230 = tpu.memref_slice %arg9[%run_scoped3A_75, %dma_wait3A_229] : memref<2x128xi32, #tpu.memory_space<vmem>> -> memref<1x128xi32, #tpu.memory_space<vmem>>
      %dma_wait3A_231 = tpu.memref_squeeze %dma_wait3A_230 : memref<1x128xi32, #tpu.memory_space<vmem>> -> memref<128xi32, #tpu.memory_space<vmem>>
      %dma_wait3A_232 = arith.constant 0 : i32
      %dma_wait3A_233 = tpu.memref_slice %arg4[%run_scoped3A_74, %dma_wait3A_232] : memref<2x320000xi32, #tpu.memory_space<hbm>> -> memref<1x320000xi32, #tpu.memory_space<hbm>>
      %dma_wait3A_234 = tpu.memref_squeeze %dma_wait3A_233 : memref<1x320000xi32, #tpu.memory_space<hbm>> -> memref<320000xi32, #tpu.memory_space<hbm>>
      %dma_wait3A_235 = arith.constant 0 : i32
      %dma_wait3A_236 = tpu.memref_slice %dma_wait3A_234[%dma_wait3A_235] : memref<320000xi32, #tpu.memory_space<hbm>> -> memref<320000xi32, #tpu.memory_space<hbm>>
      tpu.wait_indirect_dma semaphore(%run_scoped3A_214 : memref<!tpu.dma_semaphore, #tpu.memory_space<semaphore_mem>>) src(%dma_wait3A_236 : memref<320000xi32, #tpu.memory_space<hbm>>) dst(%dma_wait3A_228 : memref<128xi32, #tpu.memory_space<vmem>>)
      tpu.yield
    }) : () -> ()
    %dma_start3A = arith.constant 0 : i32
    %dma_start3A_77 = arith.constant 1 : i32
    %dma_start3A_78 = arith.constant 1 : i32
    %dma_start3A_79 = arith.constant 0 : i32
    %dma_start3A_80 = tpu.memref_slice %arg10[%dma_start3A_78, %dma_start3A_79] : memref<3x128xi32, #tpu.memory_space<vmem>> -> memref<1x128xi32, #tpu.memory_space<vmem>>
    %dma_start3A_81 = tpu.memref_squeeze %dma_start3A_80 : memref<1x128xi32, #tpu.memory_space<vmem>> -> memref<128xi32, #tpu.memory_space<vmem>>
    %dma_start3A_82 = arith.constant 0 : i32
    %dma_start3A_83 = tpu.memref_slice %arg9[%dma_start3A_77, %dma_start3A_82] : memref<2x128xi32, #tpu.memory_space<vmem>> -> memref<1x128xi32, #tpu.memory_space<vmem>>
    %dma_start3A_84 = tpu.memref_squeeze %dma_start3A_83 : memref<1x128xi32, #tpu.memory_space<vmem>> -> memref<128xi32, #tpu.memory_space<vmem>>
    %dma_start3A_85 = arith.constant 0 : i32
    %dma_start3A_86 = tpu.memref_slice %arg4[%dma_start3A, %dma_start3A_85] : memref<2x320000xi32, #tpu.memory_space<hbm>> -> memref<1x320000xi32, #tpu.memory_space<hbm>>
    %dma_start3A_87 = tpu.memref_squeeze %dma_start3A_86 : memref<1x320000xi32, #tpu.memory_space<hbm>> -> memref<320000xi32, #tpu.memory_space<hbm>>
    %dma_start3A_88 = arith.constant 0 : i32
    %dma_start3A_89 = tpu.memref_slice %dma_start3A_87[%dma_start3A_88] : memref<320000xi32, #tpu.memory_space<hbm>> -> memref<320000xi32, #tpu.memory_space<hbm>>
    tpu.enqueue_indirect_dma source(%dma_start3A_89 : memref<320000xi32, #tpu.memory_space<hbm>>) target(%dma_start3A_81 : memref<128xi32, #tpu.memory_space<vmem>>) offsets(%dma_start3A_84 : memref<128xi32, #tpu.memory_space<vmem>>) semaphore(%arg20 : memref<!tpu.dma_semaphore, #tpu.memory_space<semaphore_mem>>)
    %dma_start3A_90 = arith.constant 1 : i32
    %dma_start3A_91 = arith.constant 1 : i32
    %dma_start3A_92 = arith.constant 1 : i32
    %dma_start3A_93 = arith.constant 0 : i32
    %dma_start3A_94 = tpu.memref_slice %arg11[%dma_start3A_92, %dma_start3A_93] : memref<3x128xi32, #tpu.memory_space<vmem>> -> memref<1x128xi32, #tpu.memory_space<vmem>>
    %dma_start3A_95 = tpu.memref_squeeze %dma_start3A_94 : memref<1x128xi32, #tpu.memory_space<vmem>> -> memref<128xi32, #tpu.memory_space<vmem>>
    %dma_start3A_96 = arith.constant 0 : i32
    %dma_start3A_97 = tpu.memref_slice %arg9[%dma_start3A_91, %dma_start3A_96] : memref<2x128xi32, #tpu.memory_space<vmem>> -> memref<1x128xi32, #tpu.memory_space<vmem>>
    %dma_start3A_98 = tpu.memref_squeeze %dma_start3A_97 : memref<1x128xi32, #tpu.memory_space<vmem>> -> memref<128xi32, #tpu.memory_space<vmem>>
    %dma_start3A_99 = arith.constant 0 : i32
    %dma_start3A_100 = tpu.memref_slice %arg4[%dma_start3A_90, %dma_start3A_99] : memref<2x320000xi32, #tpu.memory_space<hbm>> -> memref<1x320000xi32, #tpu.memory_space<hbm>>
    %dma_start3A_101 = tpu.memref_squeeze %dma_start3A_100 : memref<1x320000xi32, #tpu.memory_space<hbm>> -> memref<320000xi32, #tpu.memory_space<hbm>>
    %dma_start3A_102 = arith.constant 0 : i32
    %dma_start3A_103 = tpu.memref_slice %dma_start3A_101[%dma_start3A_102] : memref<320000xi32, #tpu.memory_space<hbm>> -> memref<320000xi32, #tpu.memory_space<hbm>>
    tpu.enqueue_indirect_dma source(%dma_start3A_103 : memref<320000xi32, #tpu.memory_space<hbm>>) target(%dma_start3A_95 : memref<128xi32, #tpu.memory_space<vmem>>) offsets(%dma_start3A_98 : memref<128xi32, #tpu.memory_space<vmem>>) semaphore(%arg20 : memref<!tpu.dma_semaphore, #tpu.memory_space<semaphore_mem>>)
    %add3A_104 = arith.constant 256 : i32
    %add3A_105 = arith.addi %mul3A_2, %add3A_104 : i32
    %dma_start3A_106 = arith.constant 0 : i32
    %dma_start3A_107 = arith.constant 0 : i32
    %dma_start3A_108 = tpu.memref_slice %arg9[%dma_start3A_106, %dma_start3A_107] : memref<2x128xi32, #tpu.memory_space<vmem>> -> memref<1x128xi32, #tpu.memory_space<vmem>>
    %dma_start3A_109 = tpu.memref_squeeze %dma_start3A_108 : memref<1x128xi32, #tpu.memory_space<vmem>> -> memref<128xi32, #tpu.memory_space<vmem>>
    %dma_start3A_110 = tpu.memref_slice %arg3[%add3A_105] : memref<160000xi32, #tpu.memory_space<hbm>> -> memref<128xi32, #tpu.memory_space<hbm>>
    %dma_start3A_111 = arith.constant 0 : i32
    %dma_start3A_112 = tpu.memref_slice %arg9[%dma_start3A_106, %dma_start3A_111] : memref<2x128xi32, #tpu.memory_space<vmem>> -> memref<1x128xi32, #tpu.memory_space<vmem>>
    %dma_start3A_113 = tpu.memref_squeeze %dma_start3A_112 : memref<1x128xi32, #tpu.memory_space<vmem>> -> memref<128xi32, #tpu.memory_space<vmem>>
    %dma_start3A_114 = tpu.memref_slice %arg3[%add3A_105] : memref<160000xi32, #tpu.memory_space<hbm>> -> memref<128xi32, #tpu.memory_space<hbm>>
    tpu.enqueue_dma source(%dma_start3A_114 : memref<128xi32, #tpu.memory_space<hbm>>) target(%dma_start3A_113 : memref<128xi32, #tpu.memory_space<vmem>>) target_semaphore(%arg19 : memref<!tpu.dma_semaphore, #tpu.memory_space<semaphore_mem>>)
    %dma_start3A_115 = arith.constant 0 : i32
    %dma_start3A_116 = arith.constant 0 : i32
    %dma_start3A_117 = arith.constant 0 : i32
    %dma_start3A_118 = arith.constant 0 : i32
    %dma_start3A_119 = arith.constant 0 : i32
    %dma_start3A_120 = tpu.memref_slice %arg12[%dma_start3A_117, %dma_start3A_118, %dma_start3A_119] : memref<2x128x128xf32, #tpu.memory_space<vmem>> -> memref<1x128x128xf32, #tpu.memory_space<vmem>>
    %dma_start3A_121 = tpu.memref_squeeze %dma_start3A_120 : memref<1x128x128xf32, #tpu.memory_space<vmem>> -> memref<128x128xf32, #tpu.memory_space<vmem>>
    %dma_start3A_122 = arith.constant 0 : i32
    %dma_start3A_123 = tpu.memref_slice %arg10[%dma_start3A_116, %dma_start3A_122] : memref<3x128xi32, #tpu.memory_space<vmem>> -> memref<1x128xi32, #tpu.memory_space<vmem>>
    %dma_start3A_124 = tpu.memref_squeeze %dma_start3A_123 : memref<1x128xi32, #tpu.memory_space<vmem>> -> memref<128xi32, #tpu.memory_space<vmem>>
    %dma_start3A_125 = arith.constant 0 : i32
    %dma_start3A_126 = arith.constant 0 : i32
    %dma_start3A_127 = tpu.memref_slice %arg2[%dma_start3A_115, %dma_start3A_125, %dma_start3A_126] : memref<1x10000x128xf32, #tpu.memory_space<hbm>> -> memref<1x10000x128xf32, #tpu.memory_space<hbm>>
    %dma_start3A_128 = tpu.memref_squeeze %dma_start3A_127 : memref<1x10000x128xf32, #tpu.memory_space<hbm>> -> memref<10000x128xf32, #tpu.memory_space<hbm>>
    %dma_start3A_129 = arith.constant 0 : i32
    %dma_start3A_130 = arith.constant 0 : i32
    %dma_start3A_131 = tpu.memref_slice %dma_start3A_128[%dma_start3A_129, %dma_start3A_130] : memref<10000x128xf32, #tpu.memory_space<hbm>> -> memref<10000x128xf32, #tpu.memory_space<hbm>>
    tpu.enqueue_indirect_dma source(%dma_start3A_131 : memref<10000x128xf32, #tpu.memory_space<hbm>>) target(%dma_start3A_121 : memref<128x128xf32, #tpu.memory_space<vmem>>) offsets(%dma_start3A_124 : memref<128xi32, #tpu.memory_space<vmem>>) semaphore(%arg21 : memref<!tpu.dma_semaphore, #tpu.memory_space<semaphore_mem>>)
    %scan3A_132 = arith.constant 0 : i32
    %scan3A_133 = arith.constant 0 : i32
    %scan3A_134 = arith.constant 1 : i32
    %scan3A_135 = arith.constant 0 : i32
    %scan3A_136 = arith.constant 0 : i32
    %scan3A_137 = arith.constant 39 : i32
    %scan3A_138 = arith.addi %scan3A_136, %scan3A_137 : i32
    %scan3A_139 = arith.constant 1 : i32
    %scan3A_140 = scf.for %scan3A_214 = %scan3A_136 to %scan3A_138 step %scan3A_139 iter_args(%scan3A_215 = %scan3A_135) -> (i32)  : i32 {
      %rem3A = arith.constant 2 : i32
      %rem3A_216 = arith.remsi %scan3A_214, %rem3A : i32
      %add3A_217 = arith.constant 1 : i32
      %add3A_218 = arith.addi %scan3A_214, %add3A_217 : i32
      %rem3A_219 = arith.constant 2 : i32
      %rem3A_220 = arith.remsi %add3A_218, %rem3A_219 : i32
      %rem3A_221 = arith.constant 3 : i32
      %rem3A_222 = arith.remsi %scan3A_214, %rem3A_221 : i32
      %add3A_223 = arith.constant 2 : i32
      %add3A_224 = arith.addi %scan3A_214, %add3A_223 : i32
      %rem3A_225 = arith.constant 3 : i32
      %rem3A_226 = arith.remsi %add3A_224, %rem3A_225 : i32
      %dma_wait3A_227 = arith.constant 0 : i32
      %dma_wait3A_228 = arith.constant 0 : i32
      %dma_wait3A_229 = tpu.memref_slice %arg12[%rem3A_216, %dma_wait3A_227, %dma_wait3A_228] : memref<2x128x128xf32, #tpu.memory_space<vmem>> -> memref<1x128x128xf32, #tpu.memory_space<vmem>>
      %dma_wait3A_230 = tpu.memref_squeeze %dma_wait3A_229 : memref<1x128x128xf32, #tpu.memory_space<vmem>> -> memref<128x128xf32, #tpu.memory_space<vmem>>
      %dma_wait3A_231 = arith.constant 0 : i32
      %dma_wait3A_232 = arith.constant 0 : i32
      %dma_wait3A_233 = tpu.memref_slice %arg2[%scan3A_132, %dma_wait3A_231, %dma_wait3A_232] : memref<1x10000x128xf32, #tpu.memory_space<hbm>> -> memref<1x10000x128xf32, #tpu.memory_space<hbm>>
      %dma_wait3A_234 = tpu.memref_squeeze %dma_wait3A_233 : memref<1x10000x128xf32, #tpu.memory_space<hbm>> -> memref<10000x128xf32, #tpu.memory_space<hbm>>
      %dma_wait3A_235 = arith.constant 0 : i32
      %dma_wait3A_236 = arith.constant 0 : i32
      %dma_wait3A_237 = tpu.memref_slice %dma_wait3A_234[%dma_wait3A_235, %dma_wait3A_236] : memref<10000x128xf32, #tpu.memory_space<hbm>> -> memref<128x128xf32, #tpu.memory_space<hbm>>
      %dma_wait3A_238 = arith.constant 0 : i32
      %dma_wait3A_239 = arith.constant 0 : i32
      %dma_wait3A_240 = tpu.memref_slice %arg12[%rem3A_216, %dma_wait3A_238, %dma_wait3A_239] : memref<2x128x128xf32, #tpu.memory_space<vmem>> -> memref<1x128x128xf32, #tpu.memory_space<vmem>>
      %dma_wait3A_241 = tpu.memref_squeeze %dma_wait3A_240 : memref<1x128x128xf32, #tpu.memory_space<vmem>> -> memref<128x128xf32, #tpu.memory_space<vmem>>
      %dma_wait3A_242 = arith.constant 0 : i32
      %dma_wait3A_243 = arith.constant 0 : i32
      %dma_wait3A_244 = tpu.memref_slice %arg2[%scan3A_132, %dma_wait3A_242, %dma_wait3A_243] : memref<1x10000x128xf32, #tpu.memory_space<hbm>> -> memref<1x10000x128xf32, #tpu.memory_space<hbm>>
      %dma_wait3A_245 = tpu.memref_squeeze %dma_wait3A_244 : memref<1x10000x128xf32, #tpu.memory_space<hbm>> -> memref<10000x128xf32, #tpu.memory_space<hbm>>
      %dma_wait3A_246 = arith.constant 0 : i32
      %dma_wait3A_247 = arith.constant 0 : i32
      %dma_wait3A_248 = tpu.memref_slice %dma_wait3A_245[%dma_wait3A_246, %dma_wait3A_247] : memref<10000x128xf32, #tpu.memory_space<hbm>> -> memref<128x128xf32, #tpu.memory_space<hbm>>
      tpu.wait_dma2 semaphore(%arg21 : memref<!tpu.dma_semaphore, #tpu.memory_space<semaphore_mem>>) src(%dma_wait3A_248 : memref<128x128xf32, #tpu.memory_space<hbm>>) dst(%dma_wait3A_241 : memref<128x128xf32, #tpu.memory_space<vmem>>)
      %dma_start3A_249 = arith.constant 0 : i32
      %dma_start3A_250 = arith.constant 0 : i32
      %dma_start3A_251 = tpu.memref_slice %arg12[%rem3A_216, %dma_start3A_249, %dma_start3A_250] : memref<2x128x128xf32, #tpu.memory_space<vmem>> -> memref<1x128x128xf32, #tpu.memory_space<vmem>>
      %dma_start3A_252 = tpu.memref_squeeze %dma_start3A_251 : memref<1x128x128xf32, #tpu.memory_space<vmem>> -> memref<128x128xf32, #tpu.memory_space<vmem>>
      %dma_start3A_253 = arith.constant 0 : i32
      %dma_start3A_254 = tpu.memref_slice %arg11[%rem3A_222, %dma_start3A_253] : memref<3x128xi32, #tpu.memory_space<vmem>> -> memref<1x128xi32, #tpu.memory_space<vmem>>
      %dma_start3A_255 = tpu.memref_squeeze %dma_start3A_254 : memref<1x128xi32, #tpu.memory_space<vmem>> -> memref<128xi32, #tpu.memory_space<vmem>>
      %dma_start3A_256 = arith.constant 0 : i32
      %dma_start3A_257 = arith.constant 0 : i32
      %dma_start3A_258 = tpu.memref_slice %arg7[%dma_start3A_256, %dma_start3A_257] : memref<10000x128xf32, #tpu.memory_space<vmem_shared>> -> memref<10000x128xf32, #tpu.memory_space<vmem_shared>>
      tpu.enqueue_indirect_dma source(%dma_start3A_252 : memref<128x128xf32, #tpu.memory_space<vmem>>) target(%dma_start3A_258 : memref<10000x128xf32, #tpu.memory_space<vmem_shared>>) offsets(%dma_start3A_255 : memref<128xi32, #tpu.memory_space<vmem>>) semaphore(%arg22 : memref<!tpu.dma_semaphore, #tpu.memory_space<semaphore_mem>>) {add = true}
      %get3A_259 = arith.index_cast %rem3A_222 : i32 to index
      %get3A_260 = arith.constant 0 : index
      %get3A_261 = tpu.vector_load %arg11[%get3A_259, %get3A_260] {strides = array<i32>} : memref<3x128xi32, #tpu.memory_space<vmem>>, vector<16xi32>,
      %shift_right_logical3A_262 = arith.constant 7 : i32
      %shift_right_logical3A_263 = vector.broadcast %shift_right_logical3A_262 : i32 to vector<16xi32>
      %shift_right_logical3A_264 = arith.shrui %get3A_261, %shift_right_logical3A_263 : vector<16xi32>
      %and3A_265 = arith.constant 127 : i32
      %and3A_266 = vector.broadcast %and3A_265 : i32 to vector<16xi32>
      %and3A_267 = arith.andi %get3A_261, %and3A_266 : vector<16xi32>
      tpu.vector_store_idx %arg13[%shift_right_logical3A_264, %and3A_267], %broadcast_in_dim3A_3 {add = true} : memref<80x128xf32, #tpu.memory_space<vmem>>[vector<16xi32>, vector<16xi32>], vector<16xf32>,
      %get3A_268 = arith.index_cast %rem3A_222 : i32 to index
      %get3A_269 = arith.constant 16 : index
      %get3A_270 = tpu.vector_load %arg11[%get3A_268, %get3A_269] {strides = array<i32>} : memref<3x128xi32, #tpu.memory_space<vmem>>, vector<16xi32>,
      %shift_right_logical3A_271 = arith.constant 7 : i32
      %shift_right_logical3A_272 = vector.broadcast %shift_right_logical3A_271 : i32 to vector<16xi32>
      %shift_right_logical3A_273 = arith.shrui %get3A_270, %shift_right_logical3A_272 : vector<16xi32>
      %and3A_274 = arith.constant 127 : i32
      %and3A_275 = vector.broadcast %and3A_274 : i32 to vector<16xi32>
      %and3A_276 = arith.andi %get3A_270, %and3A_275 : vector<16xi32>
      tpu.vector_store_idx %arg13[%shift_right_logical3A_273, %and3A_276], %broadcast_in_dim3A_3 {add = true} : memref<80x128xf32, #tpu.memory_space<vmem>>[vector<16xi32>, vector<16xi32>], vector<16xf32>,
      %get3A_277 = arith.index_cast %rem3A_222 : i32 to index
      %get3A_278 = arith.constant 32 : index
      %get3A_279 = tpu.vector_load %arg11[%get3A_277, %get3A_278] {strides = array<i32>} : memref<3x128xi32, #tpu.memory_space<vmem>>, vector<16xi32>,
      %shift_right_logical3A_280 = arith.constant 7 : i32
      %shift_right_logical3A_281 = vector.broadcast %shift_right_logical3A_280 : i32 to vector<16xi32>
      %shift_right_logical3A_282 = arith.shrui %get3A_279, %shift_right_logical3A_281 : vector<16xi32>
      %and3A_283 = arith.constant 127 : i32
      %and3A_284 = vector.broadcast %and3A_283 : i32 to vector<16xi32>
      %and3A_285 = arith.andi %get3A_279, %and3A_284 : vector<16xi32>
      tpu.vector_store_idx %arg13[%shift_right_logical3A_282, %and3A_285], %broadcast_in_dim3A_3 {add = true} : memref<80x128xf32, #tpu.memory_space<vmem>>[vector<16xi32>, vector<16xi32>], vector<16xf32>,
      %get3A_286 = arith.index_cast %rem3A_222 : i32 to index
      %get3A_287 = arith.constant 48 : index
      %get3A_288 = tpu.vector_load %arg11[%get3A_286, %get3A_287] {strides = array<i32>} : memref<3x128xi32, #tpu.memory_space<vmem>>, vector<16xi32>,
      %shift_right_logical3A_289 = arith.constant 7 : i32
      %shift_right_logical3A_290 = vector.broadcast %shift_right_logical3A_289 : i32 to vector<16xi32>
      %shift_right_logical3A_291 = arith.shrui %get3A_288, %shift_right_logical3A_290 : vector<16xi32>
      %and3A_292 = arith.constant 127 : i32
      %and3A_293 = vector.broadcast %and3A_292 : i32 to vector<16xi32>
      %and3A_294 = arith.andi %get3A_288, %and3A_293 : vector<16xi32>
      tpu.vector_store_idx %arg13[%shift_right_logical3A_291, %and3A_294], %broadcast_in_dim3A_3 {add = true} : memref<80x128xf32, #tpu.memory_space<vmem>>[vector<16xi32>, vector<16xi32>], vector<16xf32>,
      %get3A_295 = arith.index_cast %rem3A_222 : i32 to index
      %get3A_296 = arith.constant 64 : index
      %get3A_297 = tpu.vector_load %arg11[%get3A_295, %get3A_296] {strides = array<i32>} : memref<3x128xi32, #tpu.memory_space<vmem>>, vector<16xi32>,
      %shift_right_logical3A_298 = arith.constant 7 : i32
      %shift_right_logical3A_299 = vector.broadcast %shift_right_logical3A_298 : i32 to vector<16xi32>
      %shift_right_logical3A_300 = arith.shrui %get3A_297, %shift_right_logical3A_299 : vector<16xi32>
      %and3A_301 = arith.constant 127 : i32
      %and3A_302 = vector.broadcast %and3A_301 : i32 to vector<16xi32>
      %and3A_303 = arith.andi %get3A_297, %and3A_302 : vector<16xi32>
      tpu.vector_store_idx %arg13[%shift_right_logical3A_300, %and3A_303], %broadcast_in_dim3A_3 {add = true} : memref<80x128xf32, #tpu.memory_space<vmem>>[vector<16xi32>, vector<16xi32>], vector<16xf32>,
      %get3A_304 = arith.index_cast %rem3A_222 : i32 to index
      %get3A_305 = arith.constant 80 : index
      %get3A_306 = tpu.vector_load %arg11[%get3A_304, %get3A_305] {strides = array<i32>} : memref<3x128xi32, #tpu.memory_space<vmem>>, vector<16xi32>,
      %shift_right_logical3A_307 = arith.constant 7 : i32
      %shift_right_logical3A_308 = vector.broadcast %shift_right_logical3A_307 : i32 to vector<16xi32>
      %shift_right_logical3A_309 = arith.shrui %get3A_306, %shift_right_logical3A_308 : vector<16xi32>
      %and3A_310 = arith.constant 127 : i32
      %and3A_311 = vector.broadcast %and3A_310 : i32 to vector<16xi32>
      %and3A_312 = arith.andi %get3A_306, %and3A_311 : vector<16xi32>
      tpu.vector_store_idx %arg13[%shift_right_logical3A_309, %and3A_312], %broadcast_in_dim3A_3 {add = true} : memref<80x128xf32, #tpu.memory_space<vmem>>[vector<16xi32>, vector<16xi32>], vector<16xf32>,
      %get3A_313 = arith.index_cast %rem3A_222 : i32 to index
      %get3A_314 = arith.constant 96 : index
      %get3A_315 = tpu.vector_load %arg11[%get3A_313, %get3A_314] {strides = array<i32>} : memref<3x128xi32, #tpu.memory_space<vmem>>, vector<16xi32>,
      %shift_right_logical3A_316 = arith.constant 7 : i32
      %shift_right_logical3A_317 = vector.broadcast %shift_right_logical3A_316 : i32 to vector<16xi32>
      %shift_right_logical3A_318 = arith.shrui %get3A_315, %shift_right_logical3A_317 : vector<16xi32>
      %and3A_319 = arith.constant 127 : i32
      %and3A_320 = vector.broadcast %and3A_319 : i32 to vector<16xi32>
      %and3A_321 = arith.andi %get3A_315, %and3A_320 : vector<16xi32>
      tpu.vector_store_idx %arg13[%shift_right_logical3A_318, %and3A_321], %broadcast_in_dim3A_3 {add = true} : memref<80x128xf32, #tpu.memory_space<vmem>>[vector<16xi32>, vector<16xi32>], vector<16xf32>,
      %get3A_322 = arith.index_cast %rem3A_222 : i32 to index
      %get3A_323 = arith.constant 112 : index
      %get3A_324 = tpu.vector_load %arg11[%get3A_322, %get3A_323] {strides = array<i32>} : memref<3x128xi32, #tpu.memory_space<vmem>>, vector<16xi32>,
      %shift_right_logical3A_325 = arith.constant 7 : i32
      %shift_right_logical3A_326 = vector.broadcast %shift_right_logical3A_325 : i32 to vector<16xi32>
      %shift_right_logical3A_327 = arith.shrui %get3A_324, %shift_right_logical3A_326 : vector<16xi32>
      %and3A_328 = arith.constant 127 : i32
      %and3A_329 = vector.broadcast %and3A_328 : i32 to vector<16xi32>
      %and3A_330 = arith.andi %get3A_324, %and3A_329 : vector<16xi32>
      tpu.vector_store_idx %arg13[%shift_right_logical3A_327, %and3A_330], %broadcast_in_dim3A_3 {add = true} : memref<80x128xf32, #tpu.memory_space<vmem>>[vector<16xi32>, vector<16xi32>], vector<16xf32>,
      %le3A = arith.constant 37 : i32
      %le3A_331 = arith.cmpi sle, %scan3A_214, %le3A : i32
      %convert_element_type3A_332 = arith.extui %le3A_331 : i1 to i32
      %cond3A_333 = arith.constant 0 : i32
      %cond3A_334 = arith.cmpi ne, %convert_element_type3A_332, %cond3A_333 : i32
      scf.if %cond3A_334 {
        %dma_wait3A_355 = arith.constant 0 : i32
        %dma_wait3A_356 = arith.constant 0 : i32
        %dma_wait3A_357 = tpu.memref_slice %arg10[%dma_wait3A_355, %dma_wait3A_356] : memref<3x128xi32, #tpu.memory_space<vmem>> -> memref<1x128xi32, #tpu.memory_space<vmem>>
        %dma_wait3A_358 = tpu.memref_squeeze %dma_wait3A_357 : memref<1x128xi32, #tpu.memory_space<vmem>> -> memref<128xi32, #tpu.memory_space<vmem>>
        %dma_wait3A_359 = arith.constant 0 : i32
        %dma_wait3A_360 = tpu.memref_slice %arg4[%scan3A_133, %dma_wait3A_359] : memref<2x320000xi32, #tpu.memory_space<hbm>> -> memref<1x320000xi32, #tpu.memory_space<hbm>>
        %dma_wait3A_361 = tpu.memref_squeeze %dma_wait3A_360 : memref<1x320000xi32, #tpu.memory_space<hbm>> -> memref<320000xi32, #tpu.memory_space<hbm>>
        %dma_wait3A_362 = arith.constant 0 : i32
        %dma_wait3A_363 = tpu.memref_slice %dma_wait3A_361[%dma_wait3A_362] : memref<320000xi32, #tpu.memory_space<hbm>> -> memref<128xi32, #tpu.memory_space<hbm>>
        %dma_wait3A_364 = arith.constant 0 : i32
        %dma_wait3A_365 = tpu.memref_slice %arg10[%dma_wait3A_355, %dma_wait3A_364] : memref<3x128xi32, #tpu.memory_space<vmem>> -> memref<1x128xi32, #tpu.memory_space<vmem>>
        %dma_wait3A_366 = tpu.memref_squeeze %dma_wait3A_365 : memref<1x128xi32, #tpu.memory_space<vmem>> -> memref<128xi32, #tpu.memory_space<vmem>>
        %dma_wait3A_367 = arith.constant 0 : i32
        %dma_wait3A_368 = tpu.memref_slice %arg4[%scan3A_133, %dma_wait3A_367] : memref<2x320000xi32, #tpu.memory_space<hbm>> -> memref<1x320000xi32, #tpu.memory_space<hbm>>
        %dma_wait3A_369 = tpu.memref_squeeze %dma_wait3A_368 : memref<1x320000xi32, #tpu.memory_space<hbm>> -> memref<320000xi32, #tpu.memory_space<hbm>>
        %dma_wait3A_370 = arith.constant 0 : i32
        %dma_wait3A_371 = tpu.memref_slice %dma_wait3A_369[%dma_wait3A_370] : memref<320000xi32, #tpu.memory_space<hbm>> -> memref<128xi32, #tpu.memory_space<hbm>>
        tpu.wait_dma2 semaphore(%arg20 : memref<!tpu.dma_semaphore, #tpu.memory_space<semaphore_mem>>) src(%dma_wait3A_371 : memref<128xi32, #tpu.memory_space<hbm>>) dst(%dma_wait3A_366 : memref<128xi32, #tpu.memory_space<vmem>>)
        %dma_wait3A_372 = arith.constant 0 : i32
        %dma_wait3A_373 = arith.constant 0 : i32
        %dma_wait3A_374 = tpu.memref_slice %arg10[%dma_wait3A_372, %dma_wait3A_373] : memref<3x128xi32, #tpu.memory_space<vmem>> -> memref<1x128xi32, #tpu.memory_space<vmem>>
        %dma_wait3A_375 = tpu.memref_squeeze %dma_wait3A_374 : memref<1x128xi32, #tpu.memory_space<vmem>> -> memref<128xi32, #tpu.memory_space<vmem>>
        %dma_wait3A_376 = arith.constant 0 : i32
        %dma_wait3A_377 = tpu.memref_slice %arg4[%scan3A_133, %dma_wait3A_376] : memref<2x320000xi32, #tpu.memory_space<hbm>> -> memref<1x320000xi32, #tpu.memory_space<hbm>>
        %dma_wait3A_378 = tpu.memref_squeeze %dma_wait3A_377 : memref<1x320000xi32, #tpu.memory_space<hbm>> -> memref<320000xi32, #tpu.memory_space<hbm>>
        %dma_wait3A_379 = arith.constant 0 : i32
        %dma_wait3A_380 = tpu.memref_slice %dma_wait3A_378[%dma_wait3A_379] : memref<320000xi32, #tpu.memory_space<hbm>> -> memref<128xi32, #tpu.memory_space<hbm>>
        %dma_wait3A_381 = arith.constant 0 : i32
        %dma_wait3A_382 = tpu.memref_slice %arg10[%dma_wait3A_372, %dma_wait3A_381] : memref<3x128xi32, #tpu.memory_space<vmem>> -> memref<1x128xi32, #tpu.memory_space<vmem>>
        %dma_wait3A_383 = tpu.memref_squeeze %dma_wait3A_382 : memref<1x128xi32, #tpu.memory_space<vmem>> -> memref<128xi32, #tpu.memory_space<vmem>>
        %dma_wait3A_384 = arith.constant 0 : i32
        %dma_wait3A_385 = tpu.memref_slice %arg4[%scan3A_133, %dma_wait3A_384] : memref<2x320000xi32, #tpu.memory_space<hbm>> -> memref<1x320000xi32, #tpu.memory_space<hbm>>
        %dma_wait3A_386 = tpu.memref_squeeze %dma_wait3A_385 : memref<1x320000xi32, #tpu.memory_space<hbm>> -> memref<320000xi32, #tpu.memory_space<hbm>>
        %dma_wait3A_387 = arith.constant 0 : i32
        %dma_wait3A_388 = tpu.memref_slice %dma_wait3A_386[%dma_wait3A_387] : memref<320000xi32, #tpu.memory_space<hbm>> -> memref<128xi32, #tpu.memory_space<hbm>>
        tpu.wait_dma2 semaphore(%arg20 : memref<!tpu.dma_semaphore, #tpu.memory_space<semaphore_mem>>) src(%dma_wait3A_388 : memref<128xi32, #tpu.memory_space<hbm>>) dst(%dma_wait3A_383 : memref<128xi32, #tpu.memory_space<vmem>>)
      } else {
      }
      %ge3A = arith.constant 1 : i32
      %ge3A_335 = arith.cmpi sge, %scan3A_214, %ge3A : i32
      %convert_element_type3A_336 = arith.extui %ge3A_335 : i1 to i32
      %cond3A_337 = arith.constant 0 : i32
      %cond3A_338 = arith.cmpi ne, %convert_element_type3A_336, %cond3A_337 : i32
      scf.if %cond3A_338 {
        %dma_wait3A_355 = arith.constant 0 : i32
        %dma_wait3A_356 = arith.constant 0 : i32
        %dma_wait3A_357 = arith.constant 0 : i32
        %dma_wait3A_358 = tpu.memref_slice %arg12[%dma_wait3A_355, %dma_wait3A_356, %dma_wait3A_357] : memref<2x128x128xf32, #tpu.memory_space<vmem>> -> memref<1x128x128xf32, #tpu.memory_space<vmem>>
        %dma_wait3A_359 = tpu.memref_squeeze %dma_wait3A_358 : memref<1x128x128xf32, #tpu.memory_space<vmem>> -> memref<128x128xf32, #tpu.memory_space<vmem>>
        %dma_wait3A_360 = arith.constant 0 : i32
        %dma_wait3A_361 = arith.constant 0 : i32
        %dma_wait3A_362 = tpu.memref_slice %arg2[%scan3A_132, %dma_wait3A_360, %dma_wait3A_361] : memref<1x10000x128xf32, #tpu.memory_space<hbm>> -> memref<1x10000x128xf32, #tpu.memory_space<hbm>>
        %dma_wait3A_363 = tpu.memref_squeeze %dma_wait3A_362 : memref<1x10000x128xf32, #tpu.memory_space<hbm>> -> memref<10000x128xf32, #tpu.memory_space<hbm>>
        %dma_wait3A_364 = arith.constant 0 : i32
        %dma_wait3A_365 = arith.constant 0 : i32
        %dma_wait3A_366 = tpu.memref_slice %dma_wait3A_363[%dma_wait3A_364, %dma_wait3A_365] : memref<10000x128xf32, #tpu.memory_space<hbm>> -> memref<128x128xf32, #tpu.memory_space<hbm>>
        %dma_wait3A_367 = arith.constant 0 : i32
        %dma_wait3A_368 = arith.constant 0 : i32
        %dma_wait3A_369 = tpu.memref_slice %arg12[%dma_wait3A_355, %dma_wait3A_367, %dma_wait3A_368] : memref<2x128x128xf32, #tpu.memory_space<vmem>> -> memref<1x128x128xf32, #tpu.memory_space<vmem>>
        %dma_wait3A_370 = tpu.memref_squeeze %dma_wait3A_369 : memref<1x128x128xf32, #tpu.memory_space<vmem>> -> memref<128x128xf32, #tpu.memory_space<vmem>>
        %dma_wait3A_371 = arith.constant 0 : i32
        %dma_wait3A_372 = arith.constant 0 : i32
        %dma_wait3A_373 = tpu.memref_slice %arg2[%scan3A_132, %dma_wait3A_371, %dma_wait3A_372] : memref<1x10000x128xf32, #tpu.memory_space<hbm>> -> memref<1x10000x128xf32, #tpu.memory_space<hbm>>
        %dma_wait3A_374 = tpu.memref_squeeze %dma_wait3A_373 : memref<1x10000x128xf32, #tpu.memory_space<hbm>> -> memref<10000x128xf32, #tpu.memory_space<hbm>>
        %dma_wait3A_375 = arith.constant 0 : i32
        %dma_wait3A_376 = arith.constant 0 : i32
        %dma_wait3A_377 = tpu.memref_slice %dma_wait3A_374[%dma_wait3A_375, %dma_wait3A_376] : memref<10000x128xf32, #tpu.memory_space<hbm>> -> memref<128x128xf32, #tpu.memory_space<hbm>>
        tpu.wait_dma2 semaphore(%arg22 : memref<!tpu.dma_semaphore, #tpu.memory_space<semaphore_mem>>) src(%dma_wait3A_377 : memref<128x128xf32, #tpu.memory_space<hbm>>) dst(%dma_wait3A_370 : memref<128x128xf32, #tpu.memory_space<vmem>>)
      } else {
      }
      %le3A_339 = arith.constant 37 : i32
      %le3A_340 = arith.cmpi sle, %scan3A_214, %le3A_339 : i32
      %convert_element_type3A_341 = arith.extui %le3A_340 : i1 to i32
      %cond3A_342 = arith.constant 0 : i32
      %cond3A_343 = arith.cmpi ne, %convert_element_type3A_341, %cond3A_342 : i32
      scf.if %cond3A_343 {
        %add3A_355 = arith.constant 1 : i32
        %add3A_356 = arith.addi %scan3A_214, %add3A_355 : i32
        %rem3A_357 = arith.constant 3 : i32
        %rem3A_358 = arith.remsi %add3A_356, %rem3A_357 : i32
        %dma_start3A_359 = arith.constant 0 : i32
        %dma_start3A_360 = arith.constant 0 : i32
        %dma_start3A_361 = tpu.memref_slice %arg12[%rem3A_220, %dma_start3A_359, %dma_start3A_360] : memref<2x128x128xf32, #tpu.memory_space<vmem>> -> memref<1x128x128xf32, #tpu.memory_space<vmem>>
        %dma_start3A_362 = tpu.memref_squeeze %dma_start3A_361 : memref<1x128x128xf32, #tpu.memory_space<vmem>> -> memref<128x128xf32, #tpu.memory_space<vmem>>
        %dma_start3A_363 = arith.constant 0 : i32
        %dma_start3A_364 = tpu.memref_slice %arg10[%rem3A_358, %dma_start3A_363] : memref<3x128xi32, #tpu.memory_space<vmem>> -> memref<1x128xi32, #tpu.memory_space<vmem>>
        %dma_start3A_365 = tpu.memref_squeeze %dma_start3A_364 : memref<1x128xi32, #tpu.memory_space<vmem>> -> memref<128xi32, #tpu.memory_space<vmem>>
        %dma_start3A_366 = arith.constant 0 : i32
        %dma_start3A_367 = arith.constant 0 : i32
        %dma_start3A_368 = tpu.memref_slice %arg2[%scan3A_132, %dma_start3A_366, %dma_start3A_367] : memref<1x10000x128xf32, #tpu.memory_space<hbm>> -> memref<1x10000x128xf32, #tpu.memory_space<hbm>>
        %dma_start3A_369 = tpu.memref_squeeze %dma_start3A_368 : memref<1x10000x128xf32, #tpu.memory_space<hbm>> -> memref<10000x128xf32, #tpu.memory_space<hbm>>
        %dma_start3A_370 = arith.constant 0 : i32
        %dma_start3A_371 = arith.constant 0 : i32
        %dma_start3A_372 = tpu.memref_slice %dma_start3A_369[%dma_start3A_370, %dma_start3A_371] : memref<10000x128xf32, #tpu.memory_space<hbm>> -> memref<10000x128xf32, #tpu.memory_space<hbm>>
        tpu.enqueue_indirect_dma source(%dma_start3A_372 : memref<10000x128xf32, #tpu.memory_space<hbm>>) target(%dma_start3A_362 : memref<128x128xf32, #tpu.memory_space<vmem>>) offsets(%dma_start3A_365 : memref<128xi32, #tpu.memory_space<vmem>>) semaphore(%arg21 : memref<!tpu.dma_semaphore, #tpu.memory_space<semaphore_mem>>)
      } else {
      }
      %le3A_344 = arith.constant 36 : i32
      %le3A_345 = arith.cmpi sle, %scan3A_214, %le3A_344 : i32
      %convert_element_type3A_346 = arith.extui %le3A_345 : i1 to i32
      %cond3A_347 = arith.constant 0 : i32
      %cond3A_348 = arith.cmpi ne, %convert_element_type3A_346, %cond3A_347 : i32
      scf.if %cond3A_348 {
        %dma_wait3A_355 = arith.constant 0 : i32
        %dma_wait3A_356 = arith.constant 0 : i32
        %dma_wait3A_357 = tpu.memref_slice %arg9[%dma_wait3A_355, %dma_wait3A_356] : memref<2x128xi32, #tpu.memory_space<vmem>> -> memref<1x128xi32, #tpu.memory_space<vmem>>
        %dma_wait3A_358 = tpu.memref_squeeze %dma_wait3A_357 : memref<1x128xi32, #tpu.memory_space<vmem>> -> memref<128xi32, #tpu.memory_space<vmem>>
        %dma_wait3A_359 = arith.constant 0 : i32
        %dma_wait3A_360 = tpu.memref_slice %arg3[%dma_wait3A_359] : memref<160000xi32, #tpu.memory_space<hbm>> -> memref<128xi32, #tpu.memory_space<hbm>>
        %dma_wait3A_361 = arith.constant 0 : i32
        %dma_wait3A_362 = tpu.memref_slice %arg9[%dma_wait3A_355, %dma_wait3A_361] : memref<2x128xi32, #tpu.memory_space<vmem>> -> memref<1x128xi32, #tpu.memory_space<vmem>>
        %dma_wait3A_363 = tpu.memref_squeeze %dma_wait3A_362 : memref<1x128xi32, #tpu.memory_space<vmem>> -> memref<128xi32, #tpu.memory_space<vmem>>
        %dma_wait3A_364 = arith.constant 0 : i32
        %dma_wait3A_365 = tpu.memref_slice %arg3[%dma_wait3A_364] : memref<160000xi32, #tpu.memory_space<hbm>> -> memref<128xi32, #tpu.memory_space<hbm>>
        tpu.wait_dma2 semaphore(%arg19 : memref<!tpu.dma_semaphore, #tpu.memory_space<semaphore_mem>>) src(%dma_wait3A_365 : memref<128xi32, #tpu.memory_space<hbm>>) dst(%dma_wait3A_363 : memref<128xi32, #tpu.memory_space<vmem>>)
        %dma_start3A_366 = arith.constant 0 : i32
        %dma_start3A_367 = tpu.memref_slice %arg10[%rem3A_226, %dma_start3A_366] : memref<3x128xi32, #tpu.memory_space<vmem>> -> memref<1x128xi32, #tpu.memory_space<vmem>>
        %dma_start3A_368 = tpu.memref_squeeze %dma_start3A_367 : memref<1x128xi32, #tpu.memory_space<vmem>> -> memref<128xi32, #tpu.memory_space<vmem>>
        %dma_start3A_369 = arith.constant 0 : i32
        %dma_start3A_370 = tpu.memref_slice %arg9[%rem3A_216, %dma_start3A_369] : memref<2x128xi32, #tpu.memory_space<vmem>> -> memref<1x128xi32, #tpu.memory_space<vmem>>
        %dma_start3A_371 = tpu.memref_squeeze %dma_start3A_370 : memref<1x128xi32, #tpu.memory_space<vmem>> -> memref<128xi32, #tpu.memory_space<vmem>>
        %dma_start3A_372 = arith.constant 0 : i32
        %dma_start3A_373 = tpu.memref_slice %arg4[%scan3A_133, %dma_start3A_372] : memref<2x320000xi32, #tpu.memory_space<hbm>> -> memref<1x320000xi32, #tpu.memory_space<hbm>>
        %dma_start3A_374 = tpu.memref_squeeze %dma_start3A_373 : memref<1x320000xi32, #tpu.memory_space<hbm>> -> memref<320000xi32, #tpu.memory_space<hbm>>
        %dma_start3A_375 = arith.constant 0 : i32
        %dma_start3A_376 = tpu.memref_slice %dma_start3A_374[%dma_start3A_375] : memref<320000xi32, #tpu.memory_space<hbm>> -> memref<320000xi32, #tpu.memory_space<hbm>>
        tpu.enqueue_indirect_dma source(%dma_start3A_376 : memref<320000xi32, #tpu.memory_space<hbm>>) target(%dma_start3A_368 : memref<128xi32, #tpu.memory_space<vmem>>) offsets(%dma_start3A_371 : memref<128xi32, #tpu.memory_space<vmem>>) semaphore(%arg20 : memref<!tpu.dma_semaphore, #tpu.memory_space<semaphore_mem>>)
        %dma_start3A_377 = arith.constant 0 : i32
        %dma_start3A_378 = tpu.memref_slice %arg11[%rem3A_226, %dma_start3A_377] : memref<3x128xi32, #tpu.memory_space<vmem>> -> memref<1x128xi32, #tpu.memory_space<vmem>>
        %dma_start3A_379 = tpu.memref_squeeze %dma_start3A_378 : memref<1x128xi32, #tpu.memory_space<vmem>> -> memref<128xi32, #tpu.memory_space<vmem>>
        %dma_start3A_380 = arith.constant 0 : i32
        %dma_start3A_381 = tpu.memref_slice %arg9[%rem3A_216, %dma_start3A_380] : memref<2x128xi32, #tpu.memory_space<vmem>> -> memref<1x128xi32, #tpu.memory_space<vmem>>
        %dma_start3A_382 = tpu.memref_squeeze %dma_start3A_381 : memref<1x128xi32, #tpu.memory_space<vmem>> -> memref<128xi32, #tpu.memory_space<vmem>>
        %dma_start3A_383 = arith.constant 0 : i32
        %dma_start3A_384 = tpu.memref_slice %arg4[%scan3A_134, %dma_start3A_383] : memref<2x320000xi32, #tpu.memory_space<hbm>> -> memref<1x320000xi32, #tpu.memory_space<hbm>>
        %dma_start3A_385 = tpu.memref_squeeze %dma_start3A_384 : memref<1x320000xi32, #tpu.memory_space<hbm>> -> memref<320000xi32, #tpu.memory_space<hbm>>
        %dma_start3A_386 = arith.constant 0 : i32
        %dma_start3A_387 = tpu.memref_slice %dma_start3A_385[%dma_start3A_386] : memref<320000xi32, #tpu.memory_space<hbm>> -> memref<320000xi32, #tpu.memory_space<hbm>>
        tpu.enqueue_indirect_dma source(%dma_start3A_387 : memref<320000xi32, #tpu.memory_space<hbm>>) target(%dma_start3A_379 : memref<128xi32, #tpu.memory_space<vmem>>) offsets(%dma_start3A_382 : memref<128xi32, #tpu.memory_space<vmem>>) semaphore(%arg20 : memref<!tpu.dma_semaphore, #tpu.memory_space<semaphore_mem>>)
      } else {
      }
      %le3A_349 = arith.constant 35 : i32
      %le3A_350 = arith.cmpi sle, %scan3A_214, %le3A_349 : i32
      %convert_element_type3A_351 = arith.extui %le3A_350 : i1 to i32
      %cond3A_352 = arith.constant 0 : i32
      %cond3A_353 = arith.cmpi ne, %convert_element_type3A_351, %cond3A_352 : i32
      scf.if %cond3A_353 {
        %add3A_355 = arith.constant 3 : i32
        %add3A_356 = arith.addi %scan3A_214, %add3A_355 : i32
        %mul3A_357 = arith.constant 128 : i32
        %mul3A_358 = arith.muli %add3A_356, %mul3A_357 : i32
        %add3A_359 = arith.addi %mul3A_2, %mul3A_358 : i32
        %dma_start3A_360 = arith.constant 0 : i32
        %dma_start3A_361 = tpu.memref_slice %arg9[%rem3A_220, %dma_start3A_360] : memref<2x128xi32, #tpu.memory_space<vmem>> -> memref<1x128xi32, #tpu.memory_space<vmem>>
        %dma_start3A_362 = tpu.memref_squeeze %dma_start3A_361 : memref<1x128xi32, #tpu.memory_space<vmem>> -> memref<128xi32, #tpu.memory_space<vmem>>
        %dma_start3A_363 = tpu.memref_slice %arg3[%add3A_359] : memref<160000xi32, #tpu.memory_space<hbm>> -> memref<128xi32, #tpu.memory_space<hbm>>
        %dma_start3A_364 = arith.constant 0 : i32
        %dma_start3A_365 = tpu.memref_slice %arg9[%rem3A_220, %dma_start3A_364] : memref<2x128xi32, #tpu.memory_space<vmem>> -> memref<1x128xi32, #tpu.memory_space<vmem>>
        %dma_start3A_366 = tpu.memref_squeeze %dma_start3A_365 : memref<1x128xi32, #tpu.memory_space<vmem>> -> memref<128xi32, #tpu.memory_space<vmem>>
        %dma_start3A_367 = tpu.memref_slice %arg3[%add3A_359] : memref<160000xi32, #tpu.memory_space<hbm>> -> memref<128xi32, #tpu.memory_space<hbm>>
        tpu.enqueue_dma source(%dma_start3A_367 : memref<128xi32, #tpu.memory_space<hbm>>) target(%dma_start3A_366 : memref<128xi32, #tpu.memory_space<vmem>>) target_semaphore(%arg19 : memref<!tpu.dma_semaphore, #tpu.memory_space<semaphore_mem>>)
      } else {
      }
      %scan3A_354 = arith.constant 0 : i32
      scf.yield %scan3A_354 : i32
    }
    %scan3A_141 = arith.constant 39 : i32
    %dma_wait3A = arith.constant 0 : i32
    %dma_wait3A_142 = arith.constant 0 : i32
    %dma_wait3A_143 = arith.constant 0 : i32
    %dma_wait3A_144 = arith.constant 0 : i32
    %dma_wait3A_145 = tpu.memref_slice %arg12[%dma_wait3A_142, %dma_wait3A_143, %dma_wait3A_144] : memref<2x128x128xf32, #tpu.memory_space<vmem>> -> memref<1x128x128xf32, #tpu.memory_space<vmem>>
    %dma_wait3A_146 = tpu.memref_squeeze %dma_wait3A_145 : memref<1x128x128xf32, #tpu.memory_space<vmem>> -> memref<128x128xf32, #tpu.memory_space<vmem>>
    %dma_wait3A_147 = arith.constant 0 : i32
    %dma_wait3A_148 = arith.constant 0 : i32
    %dma_wait3A_149 = tpu.memref_slice %arg2[%dma_wait3A, %dma_wait3A_147, %dma_wait3A_148] : memref<1x10000x128xf32, #tpu.memory_space<hbm>> -> memref<1x10000x128xf32, #tpu.memory_space<hbm>>
    %dma_wait3A_150 = tpu.memref_squeeze %dma_wait3A_149 : memref<1x10000x128xf32, #tpu.memory_space<hbm>> -> memref<10000x128xf32, #tpu.memory_space<hbm>>
    %dma_wait3A_151 = arith.constant 0 : i32
    %dma_wait3A_152 = arith.constant 0 : i32
    %dma_wait3A_153 = tpu.memref_slice %dma_wait3A_150[%dma_wait3A_151, %dma_wait3A_152] : memref<10000x128xf32, #tpu.memory_space<hbm>> -> memref<128x128xf32, #tpu.memory_space<hbm>>
    %dma_wait3A_154 = arith.constant 0 : i32
    %dma_wait3A_155 = arith.constant 0 : i32
    %dma_wait3A_156 = tpu.memref_slice %arg12[%dma_wait3A_142, %dma_wait3A_154, %dma_wait3A_155] : memref<2x128x128xf32, #tpu.memory_space<vmem>> -> memref<1x128x128xf32, #tpu.memory_space<vmem>>
    %dma_wait3A_157 = tpu.memref_squeeze %dma_wait3A_156 : memref<1x128x128xf32, #tpu.memory_space<vmem>> -> memref<128x128xf32, #tpu.memory_space<vmem>>
    %dma_wait3A_158 = arith.constant 0 : i32
    %dma_wait3A_159 = arith.constant 0 : i32
    %dma_wait3A_160 = tpu.memref_slice %arg2[%dma_wait3A, %dma_wait3A_158, %dma_wait3A_159] : memref<1x10000x128xf32, #tpu.memory_space<hbm>> -> memref<1x10000x128xf32, #tpu.memory_space<hbm>>
    %dma_wait3A_161 = tpu.memref_squeeze %dma_wait3A_160 : memref<1x10000x128xf32, #tpu.memory_space<hbm>> -> memref<10000x128xf32, #tpu.memory_space<hbm>>
    %dma_wait3A_162 = arith.constant 0 : i32
    %dma_wait3A_163 = arith.constant 0 : i32
    %dma_wait3A_164 = tpu.memref_slice %dma_wait3A_161[%dma_wait3A_162, %dma_wait3A_163] : memref<10000x128xf32, #tpu.memory_space<hbm>> -> memref<128x128xf32, #tpu.memory_space<hbm>>
    tpu.wait_dma2 semaphore(%arg22 : memref<!tpu.dma_semaphore, #tpu.memory_space<semaphore_mem>>) src(%dma_wait3A_164 : memref<128x128xf32, #tpu.memory_space<hbm>>) dst(%dma_wait3A_157 : memref<128x128xf32, #tpu.memory_space<vmem>>)
    %add3A_165 = arith.constant 4992 : i32
    %add3A_166 = arith.addi %mul3A_2, %add3A_165 : i32
    %run_scoped3A_167 = arith.constant 0 : i32
    "tpu.region"() ({
      %run_scoped3A_214 = tpu.sem_alloc : memref<!tpu.dma_semaphore, #tpu.memory_space<semaphore_mem>>
      %dma_start3A_215 = arith.constant 0 : i32
      %dma_start3A_216 = tpu.memref_slice %arg9[%run_scoped3A_167, %dma_start3A_215] : memref<2x128xi32, #tpu.memory_space<vmem>> -> memref<1x8xi32, #tpu.memory_space<vmem>>
      %dma_start3A_217 = tpu.memref_squeeze %dma_start3A_216 : memref<1x8xi32, #tpu.memory_space<vmem>> -> memref<8xi32, #tpu.memory_space<vmem>>
      %dma_start3A_218 = tpu.memref_slice %arg3[%add3A_166] : memref<160000xi32, #tpu.memory_space<hbm>> -> memref<8xi32, #tpu.memory_space<hbm>>
      %dma_start3A_219 = arith.constant 0 : i32
      %dma_start3A_220 = tpu.memref_slice %arg9[%run_scoped3A_167, %dma_start3A_219] : memref<2x128xi32, #tpu.memory_space<vmem>> -> memref<1x8xi32, #tpu.memory_space<vmem>>
      %dma_start3A_221 = tpu.memref_squeeze %dma_start3A_220 : memref<1x8xi32, #tpu.memory_space<vmem>> -> memref<8xi32, #tpu.memory_space<vmem>>
      %dma_start3A_222 = tpu.memref_slice %arg3[%add3A_166] : memref<160000xi32, #tpu.memory_space<hbm>> -> memref<8xi32, #tpu.memory_space<hbm>>
      tpu.enqueue_dma source(%dma_start3A_222 : memref<8xi32, #tpu.memory_space<hbm>>) target(%dma_start3A_221 : memref<8xi32, #tpu.memory_space<vmem>>) target_semaphore(%run_scoped3A_214 : memref<!tpu.dma_semaphore, #tpu.memory_space<semaphore_mem>>)
      %dma_wait3A_223 = arith.constant 0 : i32
      %dma_wait3A_224 = tpu.memref_slice %arg9[%run_scoped3A_167, %dma_wait3A_223] : memref<2x128xi32, #tpu.memory_space<vmem>> -> memref<1x8xi32, #tpu.memory_space<vmem>>
      %dma_wait3A_225 = tpu.memref_squeeze %dma_wait3A_224 : memref<1x8xi32, #tpu.memory_space<vmem>> -> memref<8xi32, #tpu.memory_space<vmem>>
      %dma_wait3A_226 = tpu.memref_slice %arg3[%add3A_166] : memref<160000xi32, #tpu.memory_space<hbm>> -> memref<8xi32, #tpu.memory_space<hbm>>
      %dma_wait3A_227 = arith.constant 0 : i32
      %dma_wait3A_228 = tpu.memref_slice %arg9[%run_scoped3A_167, %dma_wait3A_227] : memref<2x128xi32, #tpu.memory_space<vmem>> -> memref<1x8xi32, #tpu.memory_space<vmem>>
      %dma_wait3A_229 = tpu.memref_squeeze %dma_wait3A_228 : memref<1x8xi32, #tpu.memory_space<vmem>> -> memref<8xi32, #tpu.memory_space<vmem>>
      %dma_wait3A_230 = tpu.memref_slice %arg3[%add3A_166] : memref<160000xi32, #tpu.memory_space<hbm>> -> memref<8xi32, #tpu.memory_space<hbm>>
      tpu.wait_dma2 semaphore(%run_scoped3A_214 : memref<!tpu.dma_semaphore, #tpu.memory_space<semaphore_mem>>) src(%dma_wait3A_230 : memref<8xi32, #tpu.memory_space<hbm>>) dst(%dma_wait3A_229 : memref<8xi32, #tpu.memory_space<vmem>>)
      tpu.yield
    }) : () -> ()
    %run_scoped3A_168 = arith.constant 0 : i32
    %run_scoped3A_169 = arith.constant 0 : i32
    "tpu.region"() ({
      %run_scoped3A_214 = tpu.sem_alloc : memref<!tpu.dma_semaphore, #tpu.memory_space<semaphore_mem>>
      %dma_start3A_215 = arith.constant 0 : i32
      %dma_start3A_216 = tpu.memref_slice %arg9[%run_scoped3A_169, %dma_start3A_215] : memref<2x128xi32, #tpu.memory_space<vmem>> -> memref<1x8xi32, #tpu.memory_space<vmem>>
      %dma_start3A_217 = tpu.memref_squeeze %dma_start3A_216 : memref<1x8xi32, #tpu.memory_space<vmem>> -> memref<8xi32, #tpu.memory_space<vmem>>
      %dma_start3A_218 = arith.constant 0 : i32
      %dma_start3A_219 = tpu.memref_slice %arg4[%run_scoped3A_168, %dma_start3A_218] : memref<2x320000xi32, #tpu.memory_space<hbm>> -> memref<1x320000xi32, #tpu.memory_space<hbm>>
      %dma_start3A_220 = tpu.memref_squeeze %dma_start3A_219 : memref<1x320000xi32, #tpu.memory_space<hbm>> -> memref<320000xi32, #tpu.memory_space<hbm>>
      %dma_start3A_221 = arith.constant 0 : i32
      %dma_start3A_222 = tpu.memref_slice %dma_start3A_220[%dma_start3A_221] : memref<320000xi32, #tpu.memory_space<hbm>> -> memref<320000xi32, #tpu.memory_space<hbm>>
      tpu.enqueue_indirect_dma source(%dma_start3A_222 : memref<320000xi32, #tpu.memory_space<hbm>>) target(%arg15 : memref<8xi32, #tpu.memory_space<vmem>>) offsets(%dma_start3A_217 : memref<8xi32, #tpu.memory_space<vmem>>) semaphore(%run_scoped3A_214 : memref<!tpu.dma_semaphore, #tpu.memory_space<semaphore_mem>>)
      %dma_wait3A_223 = arith.constant 0 : i32
      %dma_wait3A_224 = tpu.memref_slice %arg9[%run_scoped3A_169, %dma_wait3A_223] : memref<2x128xi32, #tpu.memory_space<vmem>> -> memref<1x8xi32, #tpu.memory_space<vmem>>
      %dma_wait3A_225 = tpu.memref_squeeze %dma_wait3A_224 : memref<1x8xi32, #tpu.memory_space<vmem>> -> memref<8xi32, #tpu.memory_space<vmem>>
      %dma_wait3A_226 = arith.constant 0 : i32
      %dma_wait3A_227 = tpu.memref_slice %arg4[%run_scoped3A_168, %dma_wait3A_226] : memref<2x320000xi32, #tpu.memory_space<hbm>> -> memref<1x320000xi32, #tpu.memory_space<hbm>>
      %dma_wait3A_228 = tpu.memref_squeeze %dma_wait3A_227 : memref<1x320000xi32, #tpu.memory_space<hbm>> -> memref<320000xi32, #tpu.memory_space<hbm>>
      %dma_wait3A_229 = arith.constant 0 : i32
      %dma_wait3A_230 = tpu.memref_slice %dma_wait3A_228[%dma_wait3A_229] : memref<320000xi32, #tpu.memory_space<hbm>> -> memref<320000xi32, #tpu.memory_space<hbm>>
      tpu.wait_indirect_dma semaphore(%run_scoped3A_214 : memref<!tpu.dma_semaphore, #tpu.memory_space<semaphore_mem>>) src(%dma_wait3A_230 : memref<320000xi32, #tpu.memory_space<hbm>>) dst(%arg15 : memref<8xi32, #tpu.memory_space<vmem>>)
      tpu.yield
    }) : () -> ()
    %run_scoped3A_170 = arith.constant 1 : i32
    %run_scoped3A_171 = arith.constant 0 : i32
    "tpu.region"() ({
      %run_scoped3A_214 = tpu.sem_alloc : memref<!tpu.dma_semaphore, #tpu.memory_space<semaphore_mem>>
      %dma_start3A_215 = arith.constant 0 : i32
      %dma_start3A_216 = tpu.memref_slice %arg9[%run_scoped3A_171, %dma_start3A_215] : memref<2x128xi32, #tpu.memory_space<vmem>> -> memref<1x8xi32, #tpu.memory_space<vmem>>
      %dma_start3A_217 = tpu.memref_squeeze %dma_start3A_216 : memref<1x8xi32, #tpu.memory_space<vmem>> -> memref<8xi32, #tpu.memory_space<vmem>>
      %dma_start3A_218 = arith.constant 0 : i32
      %dma_start3A_219 = tpu.memref_slice %arg4[%run_scoped3A_170, %dma_start3A_218] : memref<2x320000xi32, #tpu.memory_space<hbm>> -> memref<1x320000xi32, #tpu.memory_space<hbm>>
      %dma_start3A_220 = tpu.memref_squeeze %dma_start3A_219 : memref<1x320000xi32, #tpu.memory_space<hbm>> -> memref<320000xi32, #tpu.memory_space<hbm>>
      %dma_start3A_221 = arith.constant 0 : i32
      %dma_start3A_222 = tpu.memref_slice %dma_start3A_220[%dma_start3A_221] : memref<320000xi32, #tpu.memory_space<hbm>> -> memref<320000xi32, #tpu.memory_space<hbm>>
      tpu.enqueue_indirect_dma source(%dma_start3A_222 : memref<320000xi32, #tpu.memory_space<hbm>>) target(%arg16 : memref<8xi32, #tpu.memory_space<vmem>>) offsets(%dma_start3A_217 : memref<8xi32, #tpu.memory_space<vmem>>) semaphore(%run_scoped3A_214 : memref<!tpu.dma_semaphore, #tpu.memory_space<semaphore_mem>>)
      %dma_wait3A_223 = arith.constant 0 : i32
      %dma_wait3A_224 = tpu.memref_slice %arg9[%run_scoped3A_171, %dma_wait3A_223] : memref<2x128xi32, #tpu.memory_space<vmem>> -> memref<1x8xi32, #tpu.memory_space<vmem>>
      %dma_wait3A_225 = tpu.memref_squeeze %dma_wait3A_224 : memref<1x8xi32, #tpu.memory_space<vmem>> -> memref<8xi32, #tpu.memory_space<vmem>>
      %dma_wait3A_226 = arith.constant 0 : i32
      %dma_wait3A_227 = tpu.memref_slice %arg4[%run_scoped3A_170, %dma_wait3A_226] : memref<2x320000xi32, #tpu.memory_space<hbm>> -> memref<1x320000xi32, #tpu.memory_space<hbm>>
      %dma_wait3A_228 = tpu.memref_squeeze %dma_wait3A_227 : memref<1x320000xi32, #tpu.memory_space<hbm>> -> memref<320000xi32, #tpu.memory_space<hbm>>
      %dma_wait3A_229 = arith.constant 0 : i32
      %dma_wait3A_230 = tpu.memref_slice %dma_wait3A_228[%dma_wait3A_229] : memref<320000xi32, #tpu.memory_space<hbm>> -> memref<320000xi32, #tpu.memory_space<hbm>>
      tpu.wait_indirect_dma semaphore(%run_scoped3A_214 : memref<!tpu.dma_semaphore, #tpu.memory_space<semaphore_mem>>) src(%dma_wait3A_230 : memref<320000xi32, #tpu.memory_space<hbm>>) dst(%arg16 : memref<8xi32, #tpu.memory_space<vmem>>)
      tpu.yield
    }) : () -> ()
    %run_scoped3A_172 = arith.constant 1 : i32
    %run_scoped3A_173 = arith.constant 0 : i32
    "tpu.region"() ({
      %run_scoped3A_214 = tpu.sem_alloc : memref<!tpu.dma_semaphore, #tpu.memory_space<semaphore_mem>>
      %dma_start3A_215 = arith.constant 0 : i32
      %dma_start3A_216 = tpu.memref_slice %arg17[%dma_start3A_215] : memref<16xi32, #tpu.memory_space<vmem>> -> memref<8xi32, #tpu.memory_space<vmem>>
      %dma_start3A_217 = arith.constant 0 : i32
      %dma_start3A_218 = tpu.memref_slice %arg9[%run_scoped3A_173, %dma_start3A_217] : memref<2x128xi32, #tpu.memory_space<vmem>> -> memref<1x8xi32, #tpu.memory_space<vmem>>
      %dma_start3A_219 = tpu.memref_squeeze %dma_start3A_218 : memref<1x8xi32, #tpu.memory_space<vmem>> -> memref<8xi32, #tpu.memory_space<vmem>>
      %dma_start3A_220 = arith.constant 0 : i32
      %dma_start3A_221 = tpu.memref_slice %arg4[%run_scoped3A_172, %dma_start3A_220] : memref<2x320000xi32, #tpu.memory_space<hbm>> -> memref<1x320000xi32, #tpu.memory_space<hbm>>
      %dma_start3A_222 = tpu.memref_squeeze %dma_start3A_221 : memref<1x320000xi32, #tpu.memory_space<hbm>> -> memref<320000xi32, #tpu.memory_space<hbm>>
      %dma_start3A_223 = arith.constant 0 : i32
      %dma_start3A_224 = tpu.memref_slice %dma_start3A_222[%dma_start3A_223] : memref<320000xi32, #tpu.memory_space<hbm>> -> memref<320000xi32, #tpu.memory_space<hbm>>
      tpu.enqueue_indirect_dma source(%dma_start3A_224 : memref<320000xi32, #tpu.memory_space<hbm>>) target(%dma_start3A_216 : memref<8xi32, #tpu.memory_space<vmem>>) offsets(%dma_start3A_219 : memref<8xi32, #tpu.memory_space<vmem>>) semaphore(%run_scoped3A_214 : memref<!tpu.dma_semaphore, #tpu.memory_space<semaphore_mem>>)
      %dma_wait3A_225 = arith.constant 0 : i32
      %dma_wait3A_226 = tpu.memref_slice %arg17[%dma_wait3A_225] : memref<16xi32, #tpu.memory_space<vmem>> -> memref<8xi32, #tpu.memory_space<vmem>>
      %dma_wait3A_227 = arith.constant 0 : i32
      %dma_wait3A_228 = tpu.memref_slice %arg9[%run_scoped3A_173, %dma_wait3A_227] : memref<2x128xi32, #tpu.memory_space<vmem>> -> memref<1x8xi32, #tpu.memory_space<vmem>>
      %dma_wait3A_229 = tpu.memref_squeeze %dma_wait3A_228 : memref<1x8xi32, #tpu.memory_space<vmem>> -> memref<8xi32, #tpu.memory_space<vmem>>
      %dma_wait3A_230 = arith.constant 0 : i32
      %dma_wait3A_231 = tpu.memref_slice %arg4[%run_scoped3A_172, %dma_wait3A_230] : memref<2x320000xi32, #tpu.memory_space<hbm>> -> memref<1x320000xi32, #tpu.memory_space<hbm>>
      %dma_wait3A_232 = tpu.memref_squeeze %dma_wait3A_231 : memref<1x320000xi32, #tpu.memory_space<hbm>> -> memref<320000xi32, #tpu.memory_space<hbm>>
      %dma_wait3A_233 = arith.constant 0 : i32
      %dma_wait3A_234 = tpu.memref_slice %dma_wait3A_232[%dma_wait3A_233] : memref<320000xi32, #tpu.memory_space<hbm>> -> memref<320000xi32, #tpu.memory_space<hbm>>
      tpu.wait_indirect_dma semaphore(%run_scoped3A_214 : memref<!tpu.dma_semaphore, #tpu.memory_space<semaphore_mem>>) src(%dma_wait3A_234 : memref<320000xi32, #tpu.memory_space<hbm>>) dst(%dma_wait3A_226 : memref<8xi32, #tpu.memory_space<vmem>>)
      tpu.yield
    }) : () -> ()
    %run_scoped3A_174 = arith.constant 0 : i32
    "tpu.region"() ({
      %run_scoped3A_214 = tpu.sem_alloc : memref<!tpu.dma_semaphore, #tpu.memory_space<semaphore_mem>>
      %dma_start3A_215 = arith.constant 0 : i32
      %dma_start3A_216 = arith.constant 0 : i32
      %dma_start3A_217 = tpu.memref_slice %arg2[%run_scoped3A_174, %dma_start3A_215, %dma_start3A_216] : memref<1x10000x128xf32, #tpu.memory_space<hbm>> -> memref<1x10000x128xf32, #tpu.memory_space<hbm>>
      %dma_start3A_218 = tpu.memref_squeeze %dma_start3A_217 : memref<1x10000x128xf32, #tpu.memory_space<hbm>> -> memref<10000x128xf32, #tpu.memory_space<hbm>>
      %dma_start3A_219 = arith.constant 0 : i32
      %dma_start3A_220 = arith.constant 0 : i32
      %dma_start3A_221 = tpu.memref_slice %dma_start3A_218[%dma_start3A_219, %dma_start3A_220] : memref<10000x128xf32, #tpu.memory_space<hbm>> -> memref<10000x128xf32, #tpu.memory_space<hbm>>
      tpu.enqueue_indirect_dma source(%dma_start3A_221 : memref<10000x128xf32, #tpu.memory_space<hbm>>) target(%arg18 : memref<8x128xf32, #tpu.memory_space<vmem>>) offsets(%arg15 : memref<8xi32, #tpu.memory_space<vmem>>) semaphore(%run_scoped3A_214 : memref<!tpu.dma_semaphore, #tpu.memory_space<semaphore_mem>>)
      %dma_wait3A_222 = arith.constant 0 : i32
      %dma_wait3A_223 = arith.constant 0 : i32
      %dma_wait3A_224 = tpu.memref_slice %arg2[%run_scoped3A_174, %dma_wait3A_222, %dma_wait3A_223] : memref<1x10000x128xf32, #tpu.memory_space<hbm>> -> memref<1x10000x128xf32, #tpu.memory_space<hbm>>
      %dma_wait3A_225 = tpu.memref_squeeze %dma_wait3A_224 : memref<1x10000x128xf32, #tpu.memory_space<hbm>> -> memref<10000x128xf32, #tpu.memory_space<hbm>>
      %dma_wait3A_226 = arith.constant 0 : i32
      %dma_wait3A_227 = arith.constant 0 : i32
      %dma_wait3A_228 = tpu.memref_slice %dma_wait3A_225[%dma_wait3A_226, %dma_wait3A_227] : memref<10000x128xf32, #tpu.memory_space<hbm>> -> memref<10000x128xf32, #tpu.memory_space<hbm>>
      tpu.wait_indirect_dma semaphore(%run_scoped3A_214 : memref<!tpu.dma_semaphore, #tpu.memory_space<semaphore_mem>>) src(%dma_wait3A_228 : memref<10000x128xf32, #tpu.memory_space<hbm>>) dst(%arg18 : memref<8x128xf32, #tpu.memory_space<vmem>>)
      tpu.yield
    }) : () -> ()
    "tpu.region"() ({
      %run_scoped3A_214 = tpu.sem_alloc : memref<!tpu.dma_semaphore, #tpu.memory_space<semaphore_mem>>
      %dma_start3A_215 = arith.constant 0 : i32
      %dma_start3A_216 = arith.constant 0 : i32
      %dma_start3A_217 = tpu.memref_slice %arg7[%dma_start3A_215, %dma_start3A_216] : memref<10000x128xf32, #tpu.memory_space<vmem_shared>> -> memref<10000x128xf32, #tpu.memory_space<vmem_shared>>
      tpu.enqueue_indirect_dma source(%arg18 : memref<8x128xf32, #tpu.memory_space<vmem>>) target(%dma_start3A_217 : memref<10000x128xf32, #tpu.memory_space<vmem_shared>>) offsets(%arg16 : memref<8xi32, #tpu.memory_space<vmem>>) semaphore(%run_scoped3A_214 : memref<!tpu.dma_semaphore, #tpu.memory_space<semaphore_mem>>) {add = true}
      %dma_wait3A_218 = arith.constant 0 : i32
      %dma_wait3A_219 = arith.constant 0 : i32
      %dma_wait3A_220 = tpu.memref_slice %arg7[%dma_wait3A_218, %dma_wait3A_219] : memref<10000x128xf32, #tpu.memory_space<vmem_shared>> -> memref<10000x128xf32, #tpu.memory_space<vmem_shared>>
      tpu.wait_indirect_dma semaphore(%run_scoped3A_214 : memref<!tpu.dma_semaphore, #tpu.memory_space<semaphore_mem>>) src(%arg18 : memref<8x128xf32, #tpu.memory_space<vmem>>) dst(%dma_wait3A_220 : memref<10000x128xf32, #tpu.memory_space<vmem_shared>>)
      tpu.yield
    }) : () -> ()
    %get3A = arith.constant 0 : index
    %get3A_175 = tpu.vector_load %arg17[%get3A] {strides = array<i32>} : memref<16xi32, #tpu.memory_space<vmem>>, vector<16xi32>,
    %shift_right_logical3A = arith.constant 7 : i32
    %shift_right_logical3A_176 = vector.broadcast %shift_right_logical3A : i32 to vector<16xi32>
    %shift_right_logical3A_177 = arith.shrui %get3A_175, %shift_right_logical3A_176 : vector<16xi32>
    %and3A = arith.constant 127 : i32
    %and3A_178 = vector.broadcast %and3A : i32 to vector<16xi32>
    %and3A_179 = arith.andi %get3A_175, %and3A_178 : vector<16xi32>
    %iota3A_180 = tpu.iota {dimensions = array<i32: 0>} : vector<16xi32>
    %lt3A = arith.constant 8 : i32
    %lt3A_181 = vector.broadcast %lt3A : i32 to vector<16xi32>
    %lt3A_182 = arith.cmpi slt, %iota3A_180, %lt3A_181 : vector<16xi32>
    tpu.vector_store_idx %arg13[%shift_right_logical3A_177, %and3A_179], %broadcast_in_dim3A_3 masked %lt3A_182 {add = true} : memref<80x128xf32, #tpu.memory_space<vmem>>[vector<16xi32>, vector<16xi32>], vector<16xf32>, vector<16xi1>
    "tpu.region"() ({
      %run_scoped3A_214 = tpu.sem_alloc : memref<!tpu.dma_semaphore, #tpu.memory_space<semaphore_mem>>
      %dma_start3A_215 = arith.constant 0 : i32
      %dma_start3A_216 = arith.constant 0 : i32
      %dma_start3A_217 = tpu.memref_slice %arg8[%dma_start3A_215, %dma_start3A_216] : memref<80x128xf32, #tpu.memory_space<vmem_shared>> -> memref<80x128xf32, #tpu.memory_space<vmem_shared>>
      tpu.enqueue_indirect_dma source(%arg13 : memref<80x128xf32, #tpu.memory_space<vmem>>) target(%dma_start3A_217 : memref<80x128xf32, #tpu.memory_space<vmem_shared>>) offsets(%arg14 : memref<80xi32, #tpu.memory_space<vmem>>) semaphore(%run_scoped3A_214 : memref<!tpu.dma_semaphore, #tpu.memory_space<semaphore_mem>>) {add = true}
      %dma_wait3A_218 = arith.constant 0 : i32
      %dma_wait3A_219 = arith.constant 0 : i32
      %dma_wait3A_220 = tpu.memref_slice %arg8[%dma_wait3A_218, %dma_wait3A_219] : memref<80x128xf32, #tpu.memory_space<vmem_shared>> -> memref<80x128xf32, #tpu.memory_space<vmem_shared>>
      tpu.wait_indirect_dma semaphore(%run_scoped3A_214 : memref<!tpu.dma_semaphore, #tpu.memory_space<semaphore_mem>>) src(%arg13 : memref<80x128xf32, #tpu.memory_space<vmem>>) dst(%dma_wait3A_220 : memref<80x128xf32, #tpu.memory_space<vmem_shared>>)
      tpu.yield
    }) : () -> ()
    %barrier3A_183 = arith.constant 0 : index
    tpu.barrier barrier_id(%barrier3A_183)
    %add3A_184 = arith.constant 0 : i32
    %add3A_185 = arith.addi %mul3A_11, %add3A_184 : i32
    %add3A_186 = arith.constant 0 : i32
    %add3A_187 = arith.addi %mul3A_11, %add3A_186 : i32
    "tpu.region"() ({
      %run_scoped3A_214 = tpu.sem_alloc : memref<!tpu.dma_semaphore, #tpu.memory_space<semaphore_mem>>
      %dma_start3A_215 = arith.constant 0 : i32
      %dma_start3A_216 = tpu.memref_slice %arg5[%arg0, %add3A_187, %dma_start3A_215] : memref<2x10000x128xf32, #tpu.memory_space<hbm>> -> memref<1x128x128xf32, #tpu.memory_space<hbm>>
      %dma_start3A_217 = tpu.memref_squeeze %dma_start3A_216 : memref<1x128x128xf32, #tpu.memory_space<hbm>> -> memref<128x128xf32, #tpu.memory_space<hbm>>
      %dma_start3A_218 = arith.constant 0 : i32
      %dma_start3A_219 = tpu.memref_slice %arg7[%add3A_185, %dma_start3A_218] : memref<10000x128xf32, #tpu.memory_space<vmem_shared>> -> memref<128x128xf32, #tpu.memory_space<vmem_shared>>
      tpu.enqueue_dma source(%dma_start3A_219 : memref<128x128xf32, #tpu.memory_space<vmem_shared>>) target(%dma_start3A_217 : memref<128x128xf32, #tpu.memory_space<hbm>>) target_semaphore(%run_scoped3A_214 : memref<!tpu.dma_semaphore, #tpu.memory_space<semaphore_mem>>)
      %dma_wait3A_220 = arith.constant 0 : i32
      %dma_wait3A_221 = tpu.memref_slice %arg5[%arg0, %add3A_187, %dma_wait3A_220] : memref<2x10000x128xf32, #tpu.memory_space<hbm>> -> memref<1x128x128xf32, #tpu.memory_space<hbm>>
      %dma_wait3A_222 = tpu.memref_squeeze %dma_wait3A_221 : memref<1x128x128xf32, #tpu.memory_space<hbm>> -> memref<128x128xf32, #tpu.memory_space<hbm>>
      %dma_wait3A_223 = arith.constant 0 : i32
      %dma_wait3A_224 = tpu.memref_slice %arg7[%add3A_185, %dma_wait3A_223] : memref<10000x128xf32, #tpu.memory_space<vmem_shared>> -> memref<128x128xf32, #tpu.memory_space<vmem_shared>>
      tpu.wait_dma2 semaphore(%run_scoped3A_214 : memref<!tpu.dma_semaphore, #tpu.memory_space<semaphore_mem>>) src(%dma_wait3A_224 : memref<128x128xf32, #tpu.memory_space<vmem_shared>>) dst(%dma_wait3A_222 : memref<128x128xf32, #tpu.memory_space<hbm>>)
      tpu.yield
    }) : () -> ()
    %add3A_188 = arith.constant 128 : i32
    %add3A_189 = arith.addi %mul3A_11, %add3A_188 : i32
    %add3A_190 = arith.constant 128 : i32
    %add3A_191 = arith.addi %mul3A_11, %add3A_190 : i32
    "tpu.region"() ({
      %run_scoped3A_214 = tpu.sem_alloc : memref<!tpu.dma_semaphore, #tpu.memory_space<semaphore_mem>>
      %dma_start3A_215 = arith.constant 0 : i32
      %dma_start3A_216 = tpu.memref_slice %arg5[%arg0, %add3A_191, %dma_start3A_215] : memref<2x10000x128xf32, #tpu.memory_space<hbm>> -> memref<1x128x128xf32, #tpu.memory_space<hbm>>
      %dma_start3A_217 = tpu.memref_squeeze %dma_start3A_216 : memref<1x128x128xf32, #tpu.memory_space<hbm>> -> memref<128x128xf32, #tpu.memory_space<hbm>>
      %dma_start3A_218 = arith.constant 0 : i32
      %dma_start3A_219 = tpu.memref_slice %arg7[%add3A_189, %dma_start3A_218] : memref<10000x128xf32, #tpu.memory_space<vmem_shared>> -> memref<128x128xf32, #tpu.memory_space<vmem_shared>>
      tpu.enqueue_dma source(%dma_start3A_219 : memref<128x128xf32, #tpu.memory_space<vmem_shared>>) target(%dma_start3A_217 : memref<128x128xf32, #tpu.memory_space<hbm>>) target_semaphore(%run_scoped3A_214 : memref<!tpu.dma_semaphore, #tpu.memory_space<semaphore_mem>>)
      %dma_wait3A_220 = arith.constant 0 : i32
      %dma_wait3A_221 = tpu.memref_slice %arg5[%arg0, %add3A_191, %dma_wait3A_220] : memref<2x10000x128xf32, #tpu.memory_space<hbm>> -> memref<1x128x128xf32, #tpu.memory_space<hbm>>
      %dma_wait3A_222 = tpu.memref_squeeze %dma_wait3A_221 : memref<1x128x128xf32, #tpu.memory_space<hbm>> -> memref<128x128xf32, #tpu.memory_space<hbm>>
      %dma_wait3A_223 = arith.constant 0 : i32
      %dma_wait3A_224 = tpu.memref_slice %arg7[%add3A_189, %dma_wait3A_223] : memref<10000x128xf32, #tpu.memory_space<vmem_shared>> -> memref<128x128xf32, #tpu.memory_space<vmem_shared>>
      tpu.wait_dma2 semaphore(%run_scoped3A_214 : memref<!tpu.dma_semaphore, #tpu.memory_space<semaphore_mem>>) src(%dma_wait3A_224 : memref<128x128xf32, #tpu.memory_space<vmem_shared>>) dst(%dma_wait3A_222 : memref<128x128xf32, #tpu.memory_space<hbm>>)
      tpu.yield
    }) : () -> ()
    %add3A_192 = arith.constant 256 : i32
    %add3A_193 = arith.addi %mul3A_11, %add3A_192 : i32
    %add3A_194 = arith.constant 256 : i32
    %add3A_195 = arith.addi %mul3A_11, %add3A_194 : i32
    "tpu.region"() ({
      %run_scoped3A_214 = tpu.sem_alloc : memref<!tpu.dma_semaphore, #tpu.memory_space<semaphore_mem>>
      %dma_start3A_215 = arith.constant 0 : i32
      %dma_start3A_216 = tpu.memref_slice %arg5[%arg0, %add3A_195, %dma_start3A_215] : memref<2x10000x128xf32, #tpu.memory_space<hbm>> -> memref<1x128x128xf32, #tpu.memory_space<hbm>>
      %dma_start3A_217 = tpu.memref_squeeze %dma_start3A_216 : memref<1x128x128xf32, #tpu.memory_space<hbm>> -> memref<128x128xf32, #tpu.memory_space<hbm>>
      %dma_start3A_218 = arith.constant 0 : i32
      %dma_start3A_219 = tpu.memref_slice %arg7[%add3A_193, %dma_start3A_218] : memref<10000x128xf32, #tpu.memory_space<vmem_shared>> -> memref<128x128xf32, #tpu.memory_space<vmem_shared>>
      tpu.enqueue_dma source(%dma_start3A_219 : memref<128x128xf32, #tpu.memory_space<vmem_shared>>) target(%dma_start3A_217 : memref<128x128xf32, #tpu.memory_space<hbm>>) target_semaphore(%run_scoped3A_214 : memref<!tpu.dma_semaphore, #tpu.memory_space<semaphore_mem>>)
      %dma_wait3A_220 = arith.constant 0 : i32
      %dma_wait3A_221 = tpu.memref_slice %arg5[%arg0, %add3A_195, %dma_wait3A_220] : memref<2x10000x128xf32, #tpu.memory_space<hbm>> -> memref<1x128x128xf32, #tpu.memory_space<hbm>>
      %dma_wait3A_222 = tpu.memref_squeeze %dma_wait3A_221 : memref<1x128x128xf32, #tpu.memory_space<hbm>> -> memref<128x128xf32, #tpu.memory_space<hbm>>
      %dma_wait3A_223 = arith.constant 0 : i32
      %dma_wait3A_224 = tpu.memref_slice %arg7[%add3A_193, %dma_wait3A_223] : memref<10000x128xf32, #tpu.memory_space<vmem_shared>> -> memref<128x128xf32, #tpu.memory_space<vmem_shared>>
      tpu.wait_dma2 semaphore(%run_scoped3A_214 : memref<!tpu.dma_semaphore, #tpu.memory_space<semaphore_mem>>) src(%dma_wait3A_224 : memref<128x128xf32, #tpu.memory_space<vmem_shared>>) dst(%dma_wait3A_222 : memref<128x128xf32, #tpu.memory_space<hbm>>)
      tpu.yield
    }) : () -> ()
    %add3A_196 = arith.constant 384 : i32
    %add3A_197 = arith.addi %mul3A_11, %add3A_196 : i32
    %add3A_198 = arith.constant 384 : i32
    %add3A_199 = arith.addi %mul3A_11, %add3A_198 : i32
    "tpu.region"() ({
      %run_scoped3A_214 = tpu.sem_alloc : memref<!tpu.dma_semaphore, #tpu.memory_space<semaphore_mem>>
      %dma_start3A_215 = arith.constant 0 : i32
      %dma_start3A_216 = tpu.memref_slice %arg5[%arg0, %add3A_199, %dma_start3A_215] : memref<2x10000x128xf32, #tpu.memory_space<hbm>> -> memref<1x128x128xf32, #tpu.memory_space<hbm>>
      %dma_start3A_217 = tpu.memref_squeeze %dma_start3A_216 : memref<1x128x128xf32, #tpu.memory_space<hbm>> -> memref<128x128xf32, #tpu.memory_space<hbm>>
      %dma_start3A_218 = arith.constant 0 : i32
      %dma_start3A_219 = tpu.memref_slice %arg7[%add3A_197, %dma_start3A_218] : memref<10000x128xf32, #tpu.memory_space<vmem_shared>> -> memref<128x128xf32, #tpu.memory_space<vmem_shared>>
      tpu.enqueue_dma source(%dma_start3A_219 : memref<128x128xf32, #tpu.memory_space<vmem_shared>>) target(%dma_start3A_217 : memref<128x128xf32, #tpu.memory_space<hbm>>) target_semaphore(%run_scoped3A_214 : memref<!tpu.dma_semaphore, #tpu.memory_space<semaphore_mem>>)
      %dma_wait3A_220 = arith.constant 0 : i32
      %dma_wait3A_221 = tpu.memref_slice %arg5[%arg0, %add3A_199, %dma_wait3A_220] : memref<2x10000x128xf32, #tpu.memory_space<hbm>> -> memref<1x128x128xf32, #tpu.memory_space<hbm>>
      %dma_wait3A_222 = tpu.memref_squeeze %dma_wait3A_221 : memref<1x128x128xf32, #tpu.memory_space<hbm>> -> memref<128x128xf32, #tpu.memory_space<hbm>>
      %dma_wait3A_223 = arith.constant 0 : i32
      %dma_wait3A_224 = tpu.memref_slice %arg7[%add3A_197, %dma_wait3A_223] : memref<10000x128xf32, #tpu.memory_space<vmem_shared>> -> memref<128x128xf32, #tpu.memory_space<vmem_shared>>
      tpu.wait_dma2 semaphore(%run_scoped3A_214 : memref<!tpu.dma_semaphore, #tpu.memory_space<semaphore_mem>>) src(%dma_wait3A_224 : memref<128x128xf32, #tpu.memory_space<vmem_shared>>) dst(%dma_wait3A_222 : memref<128x128xf32, #tpu.memory_space<hbm>>)
      tpu.yield
    }) : () -> ()
    %add3A_200 = arith.constant 512 : i32
    %add3A_201 = arith.addi %mul3A_11, %add3A_200 : i32
    %add3A_202 = arith.constant 512 : i32
    %add3A_203 = arith.addi %mul3A_11, %add3A_202 : i32
    "tpu.region"() ({
      %run_scoped3A_214 = tpu.sem_alloc : memref<!tpu.dma_semaphore, #tpu.memory_space<semaphore_mem>>
      %dma_start3A_215 = arith.constant 0 : i32
      %dma_start3A_216 = tpu.memref_slice %arg5[%arg0, %add3A_203, %dma_start3A_215] : memref<2x10000x128xf32, #tpu.memory_space<hbm>> -> memref<1x112x128xf32, #tpu.memory_space<hbm>>
      %dma_start3A_217 = tpu.memref_squeeze %dma_start3A_216 : memref<1x112x128xf32, #tpu.memory_space<hbm>> -> memref<112x128xf32, #tpu.memory_space<hbm>>
      %dma_start3A_218 = arith.constant 0 : i32
      %dma_start3A_219 = tpu.memref_slice %arg7[%add3A_201, %dma_start3A_218] : memref<10000x128xf32, #tpu.memory_space<vmem_shared>> -> memref<112x128xf32, #tpu.memory_space<vmem_shared>>
      tpu.enqueue_dma source(%dma_start3A_219 : memref<112x128xf32, #tpu.memory_space<vmem_shared>>) target(%dma_start3A_217 : memref<112x128xf32, #tpu.memory_space<hbm>>) target_semaphore(%run_scoped3A_214 : memref<!tpu.dma_semaphore, #tpu.memory_space<semaphore_mem>>)
      %dma_wait3A_220 = arith.constant 0 : i32
      %dma_wait3A_221 = tpu.memref_slice %arg5[%arg0, %add3A_203, %dma_wait3A_220] : memref<2x10000x128xf32, #tpu.memory_space<hbm>> -> memref<1x112x128xf32, #tpu.memory_space<hbm>>
      %dma_wait3A_222 = tpu.memref_squeeze %dma_wait3A_221 : memref<1x112x128xf32, #tpu.memory_space<hbm>> -> memref<112x128xf32, #tpu.memory_space<hbm>>
      %dma_wait3A_223 = arith.constant 0 : i32
      %dma_wait3A_224 = tpu.memref_slice %arg7[%add3A_201, %dma_wait3A_223] : memref<10000x128xf32, #tpu.memory_space<vmem_shared>> -> memref<112x128xf32, #tpu.memory_space<vmem_shared>>
      tpu.wait_dma2 semaphore(%run_scoped3A_214 : memref<!tpu.dma_semaphore, #tpu.memory_space<semaphore_mem>>) src(%dma_wait3A_224 : memref<112x128xf32, #tpu.memory_space<vmem_shared>>) dst(%dma_wait3A_222 : memref<112x128xf32, #tpu.memory_space<hbm>>)
      tpu.yield
    }) : () -> ()
    %eq3A_204 = arith.constant 15 : i32
    %eq3A_205 = arith.cmpi eq, %arg1, %eq3A_204 : i32
    %convert_element_type3A_206 = arith.extui %eq3A_205 : i1 to i32
    %cond3A_207 = arith.constant 0 : i32
    %cond3A_208 = arith.cmpi ne, %convert_element_type3A_206, %cond3A_207 : i32
    scf.if %cond3A_208 {
      "tpu.region"() ({
        %run_scoped3A_214 = tpu.sem_alloc : memref<!tpu.dma_semaphore, #tpu.memory_space<semaphore_mem>>
        %dma_start3A_215 = arith.constant 9984 : i32
        %dma_start3A_216 = arith.constant 0 : i32
        %dma_start3A_217 = tpu.memref_slice %arg5[%arg0, %dma_start3A_215, %dma_start3A_216] : memref<2x10000x128xf32, #tpu.memory_space<hbm>> -> memref<1x16x128xf32, #tpu.memory_space<hbm>>
        %dma_start3A_218 = tpu.memref_squeeze %dma_start3A_217 : memref<1x16x128xf32, #tpu.memory_space<hbm>> -> memref<16x128xf32, #tpu.memory_space<hbm>>
        %dma_start3A_219 = arith.constant 9984 : i32
        %dma_start3A_220 = arith.constant 0 : i32
        %dma_start3A_221 = tpu.memref_slice %arg7[%dma_start3A_219, %dma_start3A_220] : memref<10000x128xf32, #tpu.memory_space<vmem_shared>> -> memref<16x128xf32, #tpu.memory_space<vmem_shared>>
        tpu.enqueue_dma source(%dma_start3A_221 : memref<16x128xf32, #tpu.memory_space<vmem_shared>>) target(%dma_start3A_218 : memref<16x128xf32, #tpu.memory_space<hbm>>) target_semaphore(%run_scoped3A_214 : memref<!tpu.dma_semaphore, #tpu.memory_space<semaphore_mem>>)
        %dma_wait3A_222 = arith.constant 9984 : i32
        %dma_wait3A_223 = arith.constant 0 : i32
        %dma_wait3A_224 = tpu.memref_slice %arg5[%arg0, %dma_wait3A_222, %dma_wait3A_223] : memref<2x10000x128xf32, #tpu.memory_space<hbm>> -> memref<1x16x128xf32, #tpu.memory_space<hbm>>
        %dma_wait3A_225 = tpu.memref_squeeze %dma_wait3A_224 : memref<1x16x128xf32, #tpu.memory_space<hbm>> -> memref<16x128xf32, #tpu.memory_space<hbm>>
        %dma_wait3A_226 = arith.constant 9984 : i32
        %dma_wait3A_227 = arith.constant 0 : i32
        %dma_wait3A_228 = tpu.memref_slice %arg7[%dma_wait3A_226, %dma_wait3A_227] : memref<10000x128xf32, #tpu.memory_space<vmem_shared>> -> memref<16x128xf32, #tpu.memory_space<vmem_shared>>
        tpu.wait_dma2 semaphore(%run_scoped3A_214 : memref<!tpu.dma_semaphore, #tpu.memory_space<semaphore_mem>>) src(%dma_wait3A_228 : memref<16x128xf32, #tpu.memory_space<vmem_shared>>) dst(%dma_wait3A_225 : memref<16x128xf32, #tpu.memory_space<hbm>>)
        tpu.yield
      }) : () -> ()
    } else {
    }
    %eq3A_209 = arith.constant 0 : i32
    %eq3A_210 = arith.cmpi eq, %arg1, %eq3A_209 : i32
    %convert_element_type3A_211 = arith.extui %eq3A_210 : i1 to i32
    %cond3A_212 = arith.constant 0 : i32
    %cond3A_213 = arith.cmpi ne, %convert_element_type3A_211, %cond3A_212 : i32
    scf.if %cond3A_213 {
      "tpu.region"() ({
        %run_scoped3A_214 = tpu.sem_alloc : memref<!tpu.dma_semaphore, #tpu.memory_space<semaphore_mem>>
        %dma_start3A_215 = arith.constant 0 : i32
        %dma_start3A_216 = arith.constant 0 : i32
        %dma_start3A_217 = tpu.memref_slice %arg6[%arg0, %dma_start3A_215, %dma_start3A_216] : memref<2x80x128xf32, #tpu.memory_space<hbm>> -> memref<1x80x128xf32, #tpu.memory_space<hbm>>
        %dma_start3A_218 = tpu.memref_squeeze %dma_start3A_217 : memref<1x80x128xf32, #tpu.memory_space<hbm>> -> memref<80x128xf32, #tpu.memory_space<hbm>>
        tpu.enqueue_dma source(%arg8 : memref<80x128xf32, #tpu.memory_space<vmem_shared>>) target(%dma_start3A_218 : memref<80x128xf32, #tpu.memory_space<hbm>>) target_semaphore(%run_scoped3A_214 : memref<!tpu.dma_semaphore, #tpu.memory_space<semaphore_mem>>)
        %dma_wait3A_219 = arith.constant 0 : i32
        %dma_wait3A_220 = arith.constant 0 : i32
        %dma_wait3A_221 = tpu.memref_slice %arg6[%arg0, %dma_wait3A_219, %dma_wait3A_220] : memref<2x80x128xf32, #tpu.memory_space<hbm>> -> memref<1x80x128xf32, #tpu.memory_space<hbm>>
        %dma_wait3A_222 = tpu.memref_squeeze %dma_wait3A_221 : memref<1x80x128xf32, #tpu.memory_space<hbm>> -> memref<80x128xf32, #tpu.memory_space<hbm>>
        tpu.wait_dma2 semaphore(%run_scoped3A_214 : memref<!tpu.dma_semaphore, #tpu.memory_space<semaphore_mem>>) src(%arg8 : memref<80x128xf32, #tpu.memory_space<vmem_shared>>) dst(%dma_wait3A_222 : memref<80x128xf32, #tpu.memory_space<hbm>>)
        tpu.yield
      }) : () -> ()
    } else {
    }
    return
  }
}

module attributes {stable_mosaic.version = 14 : i64} {
  func.func @_tc_body(%arg0: i32, %arg1: memref<2x1024x128xf32, #tpu.memory_space<vmem>>, %arg2: memref<2x8x128xf32, #tpu.memory_space<vmem>>, %arg3: memref<128x128xf32, #tpu.memory_space<vmem>>, %arg4: memref<1x128xf32, #tpu.memory_space<vmem>>, %arg5: memref<128x128xf32, #tpu.memory_space<vmem>>, %arg6: memref<1x128xf32, #tpu.memory_space<vmem>>, %arg7: memref<128x128xf32, #tpu.memory_space<vmem>>, %arg8: memref<1x128xf32, #tpu.memory_space<vmem>>, %arg9: memref<128x128xf32, #tpu.memory_space<vmem>>, %arg10: memref<1x128xf32, #tpu.memory_space<vmem>>, %arg11: memref<1x1024x128xf32, #tpu.memory_space<vmem>>) attributes {dimension_semantics = [#tpu.dimension_semantics<arbitrary>], iteration_bounds = array<i64: 10>, scalar_prefetch = 0 : i64, scratch_operands = 0 : i64, tpu.core_type = #tpu.core_type<tc>, window_params = [{transform_indices = @transform_0, window_bounds = array<i64: 2, 1024, 128>}, {transform_indices = @transform_1, window_bounds = array<i64: 2, 8, 128>}, {pipeline_mode = #tpu.pipeline_mode<synchronous>, transform_indices = @transform_2, window_bounds = array<i64: 128, 128>}, {pipeline_mode = #tpu.pipeline_mode<synchronous>, transform_indices = @transform_3, window_bounds = array<i64: 1, 128>}, {pipeline_mode = #tpu.pipeline_mode<synchronous>, transform_indices = @transform_4, window_bounds = array<i64: 128, 128>}, {pipeline_mode = #tpu.pipeline_mode<synchronous>, transform_indices = @transform_5, window_bounds = array<i64: 1, 128>}, {pipeline_mode = #tpu.pipeline_mode<synchronous>, transform_indices = @transform_6, window_bounds = array<i64: 128, 128>}, {pipeline_mode = #tpu.pipeline_mode<synchronous>, transform_indices = @transform_7, window_bounds = array<i64: 1, 128>}, {pipeline_mode = #tpu.pipeline_mode<synchronous>, transform_indices = @transform_8, window_bounds = array<i64: 128, 128>}, {pipeline_mode = #tpu.pipeline_mode<synchronous>, transform_indices = @transform_9, window_bounds = array<i64: 1, 128>}, {transform_indices = @transform_10, window_bounds = array<i64: 1, 1024, 128>}]} {
    %get3A = arith.constant 0 : index
    %get3A_0 = arith.constant 0 : index
    %get3A_1 = arith.constant 0 : index
    %get3A_2 = vector.load %arg1[%get3A, %get3A_0, %get3A_1] : memref<2x1024x128xf32, #tpu.memory_space<vmem>>, vector<1x1024x128xf32>
    %get3A_3 = vector.shape_cast %get3A_2 : vector<1x1024x128xf32> to vector<1024x128xf32>
    %get3A_4 = arith.constant 1 : index
    %get3A_5 = arith.constant 0 : index
    %get3A_6 = arith.constant 0 : index
    %get3A_7 = vector.load %arg1[%get3A_4, %get3A_5, %get3A_6] : memref<2x1024x128xf32, #tpu.memory_space<vmem>>, vector<1x1024x128xf32>
    %get3A_8 = vector.shape_cast %get3A_7 : vector<1x1024x128xf32> to vector<1024x128xf32>
    %add3A = arith.addf %get3A_3, %get3A_8 : vector<1024x128xf32>
    %get3A_9 = arith.constant 0 : index
    %get3A_10 = arith.constant 0 : index
    %get3A_11 = arith.constant 0 : index
    %get3A_12 = vector.load %arg2[%get3A_9, %get3A_10, %get3A_11] : memref<2x8x128xf32, #tpu.memory_space<vmem>>, vector<1x8x128xf32>
    %get3A_13 = vector.shape_cast %get3A_12 : vector<1x8x128xf32> to vector<8x128xf32>
    %get3A_14 = arith.constant 1 : index
    %get3A_15 = arith.constant 0 : index
    %get3A_16 = arith.constant 0 : index
    %get3A_17 = vector.load %arg2[%get3A_14, %get3A_15, %get3A_16] : memref<2x8x128xf32, #tpu.memory_space<vmem>>, vector<1x8x128xf32>
    %get3A_18 = vector.shape_cast %get3A_17 : vector<1x8x128xf32> to vector<8x128xf32>
    %add3A_19 = arith.addf %get3A_13, %get3A_18 : vector<8x128xf32>
    %iota3A = tpu.iota {dimensions = array<i32: 0>} : vector<1024x8xi32>
    %shift_right_arithmetic3A = arith.constant 7 : i32
    %shift_right_arithmetic3A_20 = vector.broadcast %shift_right_arithmetic3A : i32 to vector<1024x8xi32>
    %shift_right_arithmetic3A_21 = arith.shrsi %iota3A, %shift_right_arithmetic3A_20 : vector<1024x8xi32>
    %iota3A_22 = tpu.iota {dimensions = array<i32: 1>} : vector<1024x8xi32>
    %eq3A = arith.cmpi eq, %shift_right_arithmetic3A_21, %iota3A_22 : vector<1024x8xi32>
    %convert_element_type3A = arith.extui %eq3A : vector<1024x8xi1> to vector<1024x8xi32>
    %convert_element_type3A_23 = arith.sitofp %convert_element_type3A : vector<1024x8xi32> to vector<1024x8xf32>
    %dot_general3A = arith.constant dense<0.000000e+00> : vector<1024x128xf32>
    %dot_general3A_24 = tpu.matmul %convert_element_type3A_23, %add3A_19, %dot_general3A {dimension_numbers = #tpu.dot_dimension_numbers<[1], [0], [0], [1], [0, 0, 1, 1], [], []>, transpose_lhs_hint = false} : vector<1024x8xf32>, vector<8x128xf32>, vector<1024x128xf32> -> vector<1024x128xf32>
    %iota3A_25 = tpu.iota {dimensions = array<i32: 0>} : vector<1024x128xi32>
    %and3A = arith.constant 127 : i32
    %and3A_26 = vector.broadcast %and3A : i32 to vector<1024x128xi32>
    %and3A_27 = arith.andi %iota3A_25, %and3A_26 : vector<1024x128xi32>
    %iota3A_28 = tpu.iota {dimensions = array<i32: 1>} : vector<1024x128xi32>
    %eq3A_29 = arith.cmpi eq, %and3A_27, %iota3A_28 : vector<1024x128xi32>
    %convert_element_type3A_30 = arith.extui %eq3A_29 : vector<1024x128xi1> to vector<1024x128xi32>
    %convert_element_type3A_31 = arith.sitofp %convert_element_type3A_30 : vector<1024x128xi32> to vector<1024x128xf32>
    %mul3A = arith.mulf %dot_general3A_24, %convert_element_type3A_31 : vector<1024x128xf32>
    %reduce_sum3A = arith.constant dense<0.000000e+00> : vector<1024xf32>
    %reduce_sum3A_32 = vector.multi_reduction <add>, %mul3A, %reduce_sum3A [1] : vector<1024x128xf32> to vector<1024xf32>
    %broadcast_in_dim3A = vector.shape_cast %reduce_sum3A_32 : vector<1024xf32> to vector<1024x1xf32>
    %max3A = arith.constant 1.000000e+00 : f32
    %max3A_33 = vector.broadcast %max3A : f32 to vector<1024x1xf32>
    %max3A_34 = arith.maximumf %broadcast_in_dim3A, %max3A_33 : vector<1024x1xf32>
    %div3A = arith.constant 1.000000e+00 : f32
    %div3A_35 = vector.broadcast %div3A : f32 to vector<1024x1xf32>
    %div3A_36 = arith.divf %div3A_35, %max3A_34 : vector<1024x1xf32>
    %mul3A_37 = vector.broadcast %div3A_36 : vector<1024x1xf32> to vector<1024x128xf32>
    %mul3A_38 = arith.mulf %add3A, %mul3A_37 : vector<1024x128xf32>
    %get3A_39 = arith.constant 0 : index
    %get3A_40 = arith.constant 0 : index
    %get3A_41 = vector.load %arg3[%get3A_39, %get3A_40] : memref<128x128xf32, #tpu.memory_space<vmem>>, vector<128x128xf32>
    %dot_general3A_42 = arith.constant dense<0.000000e+00> : vector<1024x128xf32>
    %dot_general3A_43 = tpu.matmul %mul3A_38, %get3A_41, %dot_general3A_42 {dimension_numbers = #tpu.dot_dimension_numbers<[1], [0], [0], [1], [0, 0, 1, 1], [], []>, transpose_lhs_hint = false} : vector<1024x128xf32>, vector<128x128xf32>, vector<1024x128xf32> -> vector<1024x128xf32>
    %get3A_44 = arith.constant 0 : index
    %get3A_45 = arith.constant 0 : index
    %get3A_46 = vector.load %arg4[%get3A_44, %get3A_45] : memref<1x128xf32, #tpu.memory_space<vmem>>, vector<1x128xf32>
    %add3A_47 = vector.broadcast %get3A_46 : vector<1x128xf32> to vector<1024x128xf32>
    %add3A_48 = arith.addf %dot_general3A_43, %add3A_47 : vector<1024x128xf32>
    %get3A_49 = arith.constant 0 : index
    %get3A_50 = arith.constant 0 : index
    %get3A_51 = vector.load %arg5[%get3A_49, %get3A_50] : memref<128x128xf32, #tpu.memory_space<vmem>>, vector<128x128xf32>
    %dot_general3A_52 = arith.constant dense<0.000000e+00> : vector<1024x128xf32>
    %dot_general3A_53 = tpu.matmul %mul3A_38, %get3A_51, %dot_general3A_52 {dimension_numbers = #tpu.dot_dimension_numbers<[1], [0], [0], [1], [0, 0, 1, 1], [], []>, transpose_lhs_hint = false} : vector<1024x128xf32>, vector<128x128xf32>, vector<1024x128xf32> -> vector<1024x128xf32>
    %get3A_54 = arith.constant 0 : index
    %get3A_55 = arith.constant 0 : index
    %get3A_56 = vector.load %arg6[%get3A_54, %get3A_55] : memref<1x128xf32, #tpu.memory_space<vmem>>, vector<1x128xf32>
    %add3A_57 = vector.broadcast %get3A_56 : vector<1x128xf32> to vector<1024x128xf32>
    %add3A_58 = arith.addf %dot_general3A_53, %add3A_57 : vector<1024x128xf32>
    %get3A_59 = arith.constant 0 : index
    %get3A_60 = arith.constant 0 : index
    %get3A_61 = vector.load %arg7[%get3A_59, %get3A_60] : memref<128x128xf32, #tpu.memory_space<vmem>>, vector<128x128xf32>
    %dot_general3A_62 = arith.constant dense<0.000000e+00> : vector<1024x128xf32>
    %dot_general3A_63 = tpu.matmul %add3A_48, %get3A_61, %dot_general3A_62 {dimension_numbers = #tpu.dot_dimension_numbers<[1], [0], [0], [1], [0, 0, 1, 1], [], []>, transpose_lhs_hint = false} : vector<1024x128xf32>, vector<128x128xf32>, vector<1024x128xf32> -> vector<1024x128xf32>
    %get3A_64 = arith.constant 0 : index
    %get3A_65 = arith.constant 0 : index
    %get3A_66 = vector.load %arg8[%get3A_64, %get3A_65] : memref<1x128xf32, #tpu.memory_space<vmem>>, vector<1x128xf32>
    %add3A_67 = vector.broadcast %get3A_66 : vector<1x128xf32> to vector<1024x128xf32>
    %add3A_68 = arith.addf %dot_general3A_63, %add3A_67 : vector<1024x128xf32>
    %logistic3A = arith.negf %add3A_68 : vector<1024x128xf32>
    %logistic3A_69 = math.exp %logistic3A : vector<1024x128xf32>
    %logistic3A_70 = arith.constant 1.000000e+00 : f32
    %logistic3A_71 = vector.broadcast %logistic3A_70 : f32 to vector<1024x128xf32>
    %logistic3A_72 = arith.addf %logistic3A_71, %logistic3A_69 : vector<1024x128xf32>
    %logistic3A_73 = arith.divf %logistic3A_71, %logistic3A_72 : vector<1024x128xf32>
    %get3A_74 = arith.constant 0 : index
    %get3A_75 = arith.constant 0 : index
    %get3A_76 = vector.load %arg9[%get3A_74, %get3A_75] : memref<128x128xf32, #tpu.memory_space<vmem>>, vector<128x128xf32>
    %dot_general3A_77 = arith.constant dense<0.000000e+00> : vector<1024x128xf32>
    %dot_general3A_78 = tpu.matmul %add3A_58, %get3A_76, %dot_general3A_77 {dimension_numbers = #tpu.dot_dimension_numbers<[1], [0], [0], [1], [0, 0, 1, 1], [], []>, transpose_lhs_hint = false} : vector<1024x128xf32>, vector<128x128xf32>, vector<1024x128xf32> -> vector<1024x128xf32>
    %get3A_79 = arith.constant 0 : index
    %get3A_80 = arith.constant 0 : index
    %get3A_81 = vector.load %arg10[%get3A_79, %get3A_80] : memref<1x128xf32, #tpu.memory_space<vmem>>, vector<1x128xf32>
    %add3A_82 = vector.broadcast %get3A_81 : vector<1x128xf32> to vector<1024x128xf32>
    %add3A_83 = arith.addf %dot_general3A_78, %add3A_82 : vector<1024x128xf32>
    %tanh3A = math.tanh %add3A_83 : vector<1024x128xf32>
    %sub3A = arith.constant 1.000000e+00 : f32
    %sub3A_84 = vector.broadcast %sub3A : f32 to vector<1024x128xf32>
    %sub3A_85 = arith.subf %sub3A_84, %logistic3A_73 : vector<1024x128xf32>
    %mul3A_86 = arith.mulf %sub3A_85, %tanh3A : vector<1024x128xf32>
    %swap3A = arith.constant 0 : index
    %swap3A_87 = arith.constant 0 : index
    %swap3A_88 = arith.constant 0 : index
    %swap3A_89 = vector.load %arg11[%swap3A, %swap3A_87, %swap3A_88] : memref<1x1024x128xf32, #tpu.memory_space<vmem>>, vector<1x1024x128xf32>
    %swap3A_90 = vector.shape_cast %swap3A_89 : vector<1x1024x128xf32> to vector<1024x128xf32>
    %swap3A_91 = vector.shape_cast %mul3A_86 : vector<1024x128xf32> to vector<1x1024x128xf32>
    tpu.vector_store %arg11[%swap3A, %swap3A_87, %swap3A_88], %swap3A_91 {strides = array<i32>} : memref<1x1024x128xf32, #tpu.memory_space<vmem>>, vector<1x1024x128xf32>,
    return
  }
  func.func @transform_0(%arg0: i32) -> (i32, i32, i32) {
    %c0_i32 = arith.constant 0 : i32
    %c0_i32_0 = arith.constant 0 : i32
    %c0_i32_1 = arith.constant 0 : i32
    return %c0_i32, %arg0, %c0_i32_0 : i32, i32, i32
  }
  func.func @transform_1(%arg0: i32) -> (i32, i32, i32) {
    %c0_i32 = arith.constant 0 : i32
    %c0_i32_0 = arith.constant 0 : i32
    %c0_i32_1 = arith.constant 0 : i32
    return %c0_i32, %arg0, %c0_i32_0 : i32, i32, i32
  }
  func.func @transform_2(%arg0: i32) -> (i32, i32) {
    %c0_i32 = arith.constant 0 : i32
    %c0_i32_0 = arith.constant 0 : i32
    %c0_i32_1 = arith.constant 0 : i32
    return %c0_i32, %c0_i32_0 : i32, i32
  }
  func.func @transform_3(%arg0: i32) -> (i32, i32) {
    %c0_i32 = arith.constant 0 : i32
    %c0_i32_0 = arith.constant 0 : i32
    %c0_i32_1 = arith.constant 0 : i32
    return %c0_i32, %c0_i32_0 : i32, i32
  }
  func.func @transform_4(%arg0: i32) -> (i32, i32) {
    %c0_i32 = arith.constant 0 : i32
    %c0_i32_0 = arith.constant 0 : i32
    %c0_i32_1 = arith.constant 0 : i32
    return %c0_i32, %c0_i32_0 : i32, i32
  }
  func.func @transform_5(%arg0: i32) -> (i32, i32) {
    %c0_i32 = arith.constant 0 : i32
    %c0_i32_0 = arith.constant 0 : i32
    %c0_i32_1 = arith.constant 0 : i32
    return %c0_i32, %c0_i32_0 : i32, i32
  }
  func.func @transform_6(%arg0: i32) -> (i32, i32) {
    %c0_i32 = arith.constant 0 : i32
    %c0_i32_0 = arith.constant 0 : i32
    %c0_i32_1 = arith.constant 0 : i32
    return %c0_i32, %c0_i32_0 : i32, i32
  }
  func.func @transform_7(%arg0: i32) -> (i32, i32) {
    %c0_i32 = arith.constant 0 : i32
    %c0_i32_0 = arith.constant 0 : i32
    %c0_i32_1 = arith.constant 0 : i32
    return %c0_i32, %c0_i32_0 : i32, i32
  }
  func.func @transform_8(%arg0: i32) -> (i32, i32) {
    %c0_i32 = arith.constant 0 : i32
    %c0_i32_0 = arith.constant 0 : i32
    %c0_i32_1 = arith.constant 0 : i32
    return %c0_i32, %c0_i32_0 : i32, i32
  }
  func.func @transform_9(%arg0: i32) -> (i32, i32) {
    %c0_i32 = arith.constant 0 : i32
    %c0_i32_0 = arith.constant 0 : i32
    %c0_i32_1 = arith.constant 0 : i32
    return %c0_i32, %c0_i32_0 : i32, i32
  }
  func.func @transform_10(%arg0: i32) -> (i32, i32, i32) {
    %c0_i32 = arith.constant 0 : i32
    %c0_i32_0 = arith.constant 0 : i32
    %c0_i32_1 = arith.constant 0 : i32
    return %c0_i32, %arg0, %c0_i32_0 : i32, i32, i32
  }
}

</mosaic_0001>

<sc_bundles>
// kernel: kernel.4.cloned.1.call-start
scs
__scs_entry_jumppad:
0x0: {  	(pc) =	sbr.rel $0x88, $3  }
0x1: {  	(tag) =	ssettag $0x0;
	lr =	simm.s32 $0x1  }
0x2: {  	[smem:$0x3F96] =	sst lr;
	_ =	strace $0xD0000000  }
0x3: {  	_ = 	snop  }
0x4: {  	_ = 	snop  }
0x5: {  	_ = 	snop  }
0x6: {  	_ = 	snop  }
0x7: {  	_ = 	snop  }
__scs_overlays_trampoline_lowered:
0x8: {  	[smem:$0x3FA5] =	sst s0  }
0x9: {  	[smem:$0x3FA6] =	sst s1  }
0xa: {  	[smem:$0x3FA7] =	sst s2  }
0xb: {  	[smem:$0x3FA8] =	sst s3  }
0xc: {  	[smem:$0x3FA9] =	sst s4  }
0xd: {  	[smem:$0x3FAA] =	sst s5  }
0xe: {  	[smem:$0x3FAB] =	sst s6  }
0xf: {  	[smem:$0x3FAC] =	sst s7  }
0x10: {  	[smem:$0x3FAD] =	sst s8  }
0x11: {  	[smem:$0x3FAE] =	sst s9;
	s0 =	simm.s32 @!p0 $0x0  }
0x12: {  	s1 =	sld [smem:$0x3F94];
	s0 =	simm.s32 @p0 $0x1  }
0x13: {  	[smem:$0x3FAF] =	sst s0;
	s0 =	simm.s32 @!p1 $0x0  }
0x14: {  	s2 =	sld [smem:$0x3F93];
	s0 =	simm.s32 @p1 $0x1  }
0x15: {  	[smem:$0x3FB0] =	sst s0;
	s0 =	simm.s32 @!p2 $0x0  }
0x16: {  	s3 =	sld [smem:$0x3FDB];
	s0 =	simm.s32 @p2 $0x1  }
0x17: {  	s4 =	simm.s32 $0x1BF5;
	[smem:$0x3FB2] =	sst s0  }
0x18: {  	s0 =	sld [smem:$0x3F95];
	_ =	swait.ge [sflag:s4], $0x0  }
0x19: {  	s7 =	sld [smem:$0x3F96]  }
0x1a: {  	s8 =	sadd.s32 $0xFFFFE003, lr  }
0x1b: {  	s9 =	sadd.s32 $0xFFFFFEF7, lr;
	s5 =	simm.s32 $0xFFFFFFFF;
	p2 =	slt.u32 s8, $0xFFFFF086  }
0x1c: {  	p1 =	slt.u32 s9, $0xF7A;
	s5 =	simm.s32 @!p2 $0x0  }
0x1d: {  	s5 =	simm.s32 @p1 $0x1;
	p0 =	seq.s32 s7, s2  }
0x1e: {  	s7 =	smul.u32 @!p0 $0xF7A, s2;
	p2 =	seq.s32 @!p0 s5, $0x0  }
0x1f: {  	s9 =	smul.u32 $0xF7A, s1;
	s8 =	simm.s32 @!p0 $0x1BF5;
	p2 =	por !p2, p0  }
0x20: {  	[sflag:s8] =	ssyncset.s32 @!p0 $0xFFFFF086;
	s6 =	sadd.s32 @!p0 s3, s7;
	s7 =	simm.s32 @!p0 $0x108  }
0x21: {  	s3 =	sadd.s32 s3, s9;
	s6 =	sadd.s32 @!p0 $0x88, s6;
	s7 =	simm.s32 @p2 $0x1082  }
0x22: {  	[simem:s7], [sflag:s8] =	dma.local @!p0 [hbm:s6], $0xF7A  }
0x23: {  	s9 =	sor.u32 $0xD0000000, s2;
	s6 =	simm.s32 $0x108;
	_ =	swait.ge @!p0 [sflag:s8], $0x0  }
0x24: {  	s3 =	sadd.s32 $0x88, s3;
	s6 =	simm.s32 @!p1 $0x1082;
	[sflag:s4] =	ssyncset.s32 $0xFFFFF086  }
0x25: {  	[simem:s6], [sflag:s4] =	dma.local [hbm:s3], $0xF7A  }
0x26: {  	[smem:$0x3F96] =	sst s1;
	(tag) =	ssettag s2;
	_ =	strace s9  }
0x27: {  	s1 =	sld [smem:$0x3FA6]  }
0x28: {  	s2 =	sld [smem:$0x3FA7]  }
0x29: {  	s4 =	sld [smem:$0x3FA9]  }
0x2a: {  	p0 =	seq.s32 s5, $0x0;
	s5 =	sld [smem:$0x3FAA]  }
0x2b: {  	s6 =	sld [smem:$0x3FAB]  }
0x2c: {  	s7 =	sld [smem:$0x3FAC]  }
0x2d: {  	s3 =	simm.s32 $0x108;
	s8 =	sld [smem:$0x3FAD]  }
0x2e: {  	s3 =	simm.s32 @!p0 $0x1082;
	s9 =	sld [smem:$0x3FAE]  }
0x2f: {  	lr =	sadd.s32 s0, s3;
	s0 =	sld [smem:$0x3FA5]  }
0x30: {  	s3 =	sld [smem:$0x3FA8]  }
0x31: {  	[smem:$0x3FB1] =	sst s10  }
0x32: {  	s10 =	sld [smem:$0x3FAF];
	_ =	sdelay $0x3  }
0x33: {  	p0 =	seq.s32 s10, $0x1;
	s10 =	sld [smem:$0x3FB1];
	_ =	sdelay $0x3  }
0x34: {  	[smem:$0x3FB1] =	sst s10  }
0x35: {  	s10 =	sld [smem:$0x3FB0];
	_ =	sdelay $0x3  }
0x36: {  	p1 =	seq.s32 s10, $0x1;
	s10 =	sld [smem:$0x3FB1];
	_ =	sdelay $0x3  }
0x37: {  	[smem:$0x3FB1] =	sst s10  }
0x38: {  	s10 =	sld [smem:$0x3FB2]  }
0x39: {  	_ = 	snop;
	(pc) =	sbr.ind lr, $3  }
0x3a: {  	_ = 	snop  }
0x3b: {  	_ = 	snop  }
0x3c: {  	p2 =	seq.s32 s10, $0x1;
	s10 =	sld [smem:$0x3FB1]  }
0x3d: {  	_ =	shalt  }
0x3e: {  	_ =	shalt  }
0x3f: {  	_ =	shalt  }
0x40: {  	_ =	shalt  }
0x41: {  	_ =	shalt  }
0x42: {  	_ =	shalt  }
0x43: {  	_ =	shalt  }
0x44: {  	_ =	shalt  }
0x45: {  	_ =	shalt  }
0x46: {  	_ =	shalt  }
0x47: {  	_ =	shalt  }
0x48: {  	_ =	shalt  }
0x49: {  	_ =	shalt  }
0x4a: {  	_ =	shalt  }
0x4b: {  	_ =	shalt  }
0x4c: {  	_ =	shalt  }
0x4d: {  	_ =	shalt  }
0x4e: {  	_ =	shalt  }
0x4f: {  	_ =	shalt  }
0x50: {  	_ =	shalt  }
0x51: {  	_ =	shalt  }
0x52: {  	_ =	shalt  }
0x53: {  	_ =	shalt  }
0x54: {  	_ =	shalt  }
0x55: {  	_ =	shalt  }
0x56: {  	_ =	shalt  }
0x57: {  	_ =	shalt  }
0x58: {  	_ =	shalt  }
0x59: {  	_ =	shalt  }
0x5a: {  	_ =	shalt  }
0x5b: {  	_ =	shalt  }
0x5c: {  	_ =	shalt  }
0x5d: {  	_ =	shalt  }
0x5e: {  	_ =	shalt  }
0x5f: {  	_ =	shalt  }
0x60: {  	_ =	shalt  }
0x61: {  	_ =	shalt  }
0x62: {  	_ =	shalt  }
0x63: {  	_ =	shalt  }
0x64: {  	_ =	shalt  }
0x65: {  	_ =	shalt  }
0x66: {  	_ =	shalt  }
0x67: {  	_ =	shalt  }
0x68: {  	_ =	shalt  }
0x69: {  	_ =	shalt  }
0x6a: {  	_ =	shalt  }
0x6b: {  	_ =	shalt  }
0x6c: {  	_ =	shalt  }
0x6d: {  	_ =	shalt  }
0x6e: {  	_ =	shalt  }
0x6f: {  	_ =	shalt  }
0x70: {  	_ =	shalt  }
0x71: {  	_ =	shalt  }
0x72: {  	_ =	shalt  }
0x73: {  	_ =	shalt  }
0x74: {  	_ =	shalt  }
0x75: {  	_ =	shalt  }
0x76: {  	_ =	shalt  }
0x77: {  	_ =	shalt  }
0x78: {  	_ =	shalt  }
0x79: {  	_ =	shalt  }
0x7a: {  	_ =	shalt  }
0x7b: {  	_ =	shalt  }
0x7c: {  	_ =	shalt  }
0x7d: {  	_ =	shalt  }
0x7e: {  	_ =	shalt  }
0x7f: {  	_ =	shalt  }
0x80: {  	_ =	shalt  }
0x81: {  	_ =	shalt  }
0x82: {  	_ =	shalt  }
0x83: {  	_ =	shalt  }
0x84: {  	_ =	shalt  }
0x85: {  	_ =	shalt  }
0x86: {  	_ =	shalt  }
0x87: {  	_ =	shalt  }
.Lfunc_end0:
.L_simem_size_0:
called_computation_lowered:
.L_overlay_start_0:
0x88: {  	s2 =	sld [smem:$0x3FD9]  }
0x89: {  	s3 =	sld [smem:$0x3FFE];
	_ =	sdelay $0x1  }
0x8a: {  	s1 =	srdreg.scid  }
0x8b: {  	s0 =	sand.u32 $0x1, s1  }
0x8c: {  	s17 =	sshll.u32 s0, $0xA;
	s2 =	sadd.s32 s3, s2  }
0x8d: {  	s2 =	sadd.s32 s2, s17  }
0x8e: {  	[smem:$0x3FBD] =	sst s2  }
0x8f: {  	_ = 	snop  }
0x90: {  	s2 =	sld [smem:$0x3FC9]  }
0x91: {  	s18 =	sld [smem:$0x3FC7]  }
0x92: {  	s4 =	sld [smem:$0x3FD0];
	(tm) =	ssettm $0x1  }
0x93: {  	s5 =	sld [smem:$0x3FFB];
	_ =	sdelay $0x3  }
0x94: {  	_ =	strace s5  }
0x95: {  	s5 =	sld [smem:$0x3FFC];
	_ =	sdelay $0x3  }
0x96: {  	_ =	strace s5  }
0x97: {  	s5 =	sld [smem:$0x3FFD];
	_ =	sdelay $0x3  }
0x98: {  	_ =	strace s5  }
0x99: {  	_ =	strace $0x8FFFFFFF  }
0x9a: {  	s19 =	sld [smem:$0x3FDB];
	_ =	sdelay $0x1  }
0x9b: {  	s6 =	simm.s32 $_scs_section_size  }
0x9c: {  	s7 =	simm.s32 $_size__tile_overlayer_lowered;
	s8 =	simm.s32 $_tile_overlayer_lowered  }
0x9d: {  	s22 =	simm.s32 $0x1BFF;
	s21 =	sshll.u32 s8, $0x1;
	s5 =	sadd.s32 s6, s19  }
0x9e: {  	s9 =	simm.s32 $0x0;
	s20 =	sshll.u32 s7, $0x1;
	s7 =	sadd.s32 s21, s5  }
0x9f: {  	[timem:s9], [sflag:s22] =	dma.local [hbm:s7], s20  }
0xa0: {  	_ =	swait.ge [sflag:s22], s20  }
0xa1: {  	s6 =	ssub.s32 $0x0, s20;
	[sflag:s22] =	ssyncset.done $0x0  }
0xa2: {  	[sflag:s22] =	ssyncadd.s32 s6;
	_ =	sdelay $0x1  }
0xa3: {  	s23 =	simm.s32 $0x1B8B  }
0xa4: {  	_ =	swait.ge [sflag:s23], $0x1  }
0xa5: {  	[sflag:s23] =	ssyncset.done $0x0  }
0xa6: {  	s25 =	simm.s32 $0x1B8E;
	s24 =	sld [smem:$0x3FFE];
	[sflag:s23] =	ssyncadd.s32 $0xFFFFFFFF  }
0xa7: {  	s26 =	simm.s32 $execute0_lowered;
	[smem:$0x3FD2] =	sst s25  }
0xa8: {  	s7 =	sshll.u32 s26, $0x1;
	_ =	strace $0x80000046;
	[dreg:$0x1] =	wrdreg $0xFFFFFFFF  }
0xa9: {  	s28 =	simm.s32 $_size_execute0_lowered;
	s5 =	sadd.s32 s5, s7;
	[dreg:$0x0] =	wrdreg $0x0  }
0xaa: {  	s7 =	sshll.u32 s28, $0x1;
	[dreg:$0x2] =	wrdreg s5  }
0xab: {  	[dreg:$0x3] =	wrdreg s7  }
0xac: {  	[dreg:$0x4] =	wrdreg $0xC0  }
0xad: {  	_ =	task [dreg:s9], $0x5FFFF  }
0xae: {  	[dreg:$0x1] =	wrdreg $0xFFFFFFFF  }
0xaf: {  	[dreg:$0x0] =	wrdreg $0x60  }
0xb0: {  	[dreg:$0x2] =	wrdreg s2  }
0xb1: {  	[dreg:$0x3] =	wrdreg s18  }
0xb2: {  	[dreg:$0x4] =	wrdreg s4  }
0xb3: {  	[dreg:$0x5] =	wrdreg s24  }
0xb4: {  	[dreg:$0x6] =	wrdreg $0x0  }
0xb5: {  	[dreg:$0x7] =	wrdreg $0x138800  }
0xb6: {  	[dreg:$0x8] =	wrdreg $0x9  }
0xb7: {  	_ =	task.clear_ibuf [dreg:s9], $0x9FFFF;
	_ =	strace $0x90000046  }
0xb8: {  	s29 =	simm.s32 $0x9;
	_ =	strace $0x80000048  }
0xb9: {  	_ =	swait.ge [sflag:s29], $0x1  }
0xba: {  	[sflag:s29] =	ssyncadd.s32 $0xFFFFFFFF  }
0xbb: {  	_ =	strace $0x90000048  }
0xbc: {  	_ =	sfence  }
0xbd: {  	s30 =	sld [smem:$0x0];
	_ =	sdelay $0x2  }
0xbe: {  	s31 =	sshll.u32 s1, $0xD;
	s1 =	sshrl.u32 s1, $0x2  }
0xbf: {  	s3 =	sand.u32 $0x4000, s31;
	s1 =	sadd.s32 s1, s30  }
0xc0: {  	s0 =	sor.u32 s3, s0;
	s1 =	sshll.u32 s1, $0x11  }
0xc1: {  	s0 =	sor.u32 s1, s0  }
0xc2: {  	s0 =	sadd.s32 $0x8F2B, s0  }
0xc3: {  	[sflag:s0] =	ssyncadd.remote.s32 $0x1  }
0xc4: {  	_ =	sfence.sel $0xFFFF  }
0xc5: {  	[dreg:$0x0] =	wrdreg $0xFFFFFFFF;
	(pc) =	sbr.abs _section_cstart, $3  }
0xc6: {  	[dreg:$0x1] =	wrdreg $0xFFFFFFFF  }
0xc7: {  	_ =	task.clear_ibuf [dreg:s9], $0x2FFFF;
	_ =	strace $0x9FFFFFFF  }
0xc8: {  	(tm) =	ssettm $0x7FFFFFFF  }
0xc9: {  	_ =	shalt  }
tec
execute0_lowered:
.L_overlay_start_1:
0x0: {  	(tag) =	ssettag $0x1  }
0x1: {  	s0 =	rddreg [dreg:$0x0]  }
0x2: {  	s1 =	rddreg [dreg:$0x1]  }
0x3: {  	s2 =	rddreg [dreg:$0x2]  }
0x4: {  	s6 =	rddreg [dreg:$0x3]  }
0x5: {  	s3 =	rddreg [dreg:$0x4]  }
0x6: {  	s21 =	rddreg [dreg:$0x5]  }
0x7: {  	s25 =	simm.s32 $0x0;
	s7 =	srdreg.scid;
	s4 =	stileid.u32  }
0x8: {  	s28 =	simm.s32 $0x13F00;
	s29 =	simm.s32 $0x5;
	s30 =	simm.s32 $0x13B00  }
0x9: {  	s31 =	simm.s32 $0x13B80;
	s13 =	sand.u32 $0x1, s7;
	s14 =	smul.u32 $0x13800, s4  }
0xa: {  	[smem:$0x7FF] =	sst s25;
	s11 =	sadd.s32 $0x1C00, s6;
	s7 =	smul.u32 $0x500, s13  }
0xb: {  	p0 =	seq.s32 s4, $0x0;
	_ =	strace $0x80000047;
	s19 =	smul.u32 $0x138800, s13  }
0xc: {  	s8 =	ssub.s32 $0x2, s13;
	s10 =	sshll.u32 s13, $0x4;
	s13 =	smul.u32 $0x13880, s13  }
0xd: {  	p1 =	sne.s32 @!p0 s4, $0xF;
	s9 =	sshrl.u32 s8, $0x1;
	s23 =	sor.u32 s4, s10  }
0xe: {  	s16 =	sadd.s32 $0x4000, s14;
	s17 =	sadd.s32 $0x8000, s14;
	s18 =	sadd.s32 $0xC000, s14  }
0xf: {  	s20 =	sadd.s32 $0x10000, s14;
	p2 =	por p1, p0;
	p1 =	sne.s32 s4, $0x0  }
0x10: {  	s6 =	sadd.s32 s7, s6;
	s15 =	ssub.s32 s8, s9;
	s10 =	smul.u32 $0x1388, s23  }
0x11: {  	s7 =	sadd.s32 s14, s3;
	s8 =	sadd.s32 s16, s3;
	s9 =	sadd.s32 s17, s3  }
0x12: {  	s14 =	sadd.s32 s14, s19;
	s16 =	sadd.s32 s19, s16;
	s17 =	sadd.s32 s19, s17  }
0x13: {  	s23 =	sadd.s32 s19, s20;
	s14 =	sshrl.u32 s14, $0x3;
	s24 =	sshrl.u32 s16, $0x3  }
0x14: {  	s26 =	sshrl.u32 s17, $0x3;
	s16 =	sshrl.u32 s23, $0x3;
	s6 =	sadd.s32 $0x4FE00, s6  }
0x15: {  	s12 =	sshrl.u32 s10, $0x3;
	s10 =	sadd.s32 s18, s3;
	s14 =	sadd.s32 s11, s14  }
0x16: {  	s17 =	sadd.s32 s11, s26;
	s26 =	smul.u32 $0x1388, s4;
	[dreg:$0xf] =	wrdreg s6  }
0x17: {  	s5 =	sadd.s32 s1, s12;
	s12 =	sadd.s32 s20, s3;
	[dreg:$0x9] =	wrdreg s14  }
0x18: {  	s14 =	sadd.s32 s11, s24;
	[dreg:$0xb] =	wrdreg s17;
	s24 =	sshrl.u32 s19, $0x3  }
0x19: {  	s20 =	sadd.s32 s11, s16;
	s16 =	simm.s32 $0x4;
	[dreg:$0xa] =	wrdreg s14  }
0x1a: {  	s17 =	simm.s32 $0x8;
	s22 =	sadd.s32 $0x10, s5;
	[dreg:$0xd] =	wrdreg s20  }
0x1b: {  	s13 =	sadd.s32 s26, s13;
	[dreg:$0x7] =	wrdreg s5;
	s26 =	sadd.s32 $0x270, s5  }
0x1c: {  	[dreg:$0x8] =	wrdreg s22;
	s22 =	sadd.s32 s19, s18;
	s19 =	sadd.s32 $0x9C40, s2  }
0x1d: {  	s23 =	sadd.s32 $0x180, s13;
	[dreg:$0x14] =	wrdreg s26;
	s13 =	simm.s32 $0x13C80  }
0x1e: {  	s14 =	sshrl.u32 s22, $0x3;
	s22 =	sadd.s32 $0x20, s5;
	s6 =	sshrl.u32 s23, $0x3  }
0x1f: {  	s23 =	simm.s32 $0x0;
	s14 =	sadd.s32 s11, s14;
	s11 =	sadd.s32 s11, s24  }
0x20: {  	[dreg:$0xe] =	wrdreg s22;
	s1 =	sadd.s32 s6, s1;
	s24 =	smax.u32 s15, $0x1  }
.Ltmp0:
0x21: {  	s15 =	simm.s32 $0x1BF00;
	[dreg:$0xc] =	wrdreg s14;
	(pc) =	sbr.rel .LBB2_1-.Ltmp0, $4  }
0x22: {  	s22 =	simm.s32 $0x2;
	s11 =	sadd.s32 $0x27000, s11;
	[dreg:$0x11] =	wrdreg s1  }
0x23: {  	v0 =	vimm.f32 $0.0e+00;
	v1 =	vlaneseq.u32;
	s1 =	sadd.s32 $0x138000, s3;
	[dreg:$0x12] =	wrdreg s24;
	s14 =	simm.s32 $0x3  }
0x24: {  	v6 =	vimm.s32 $0x0;
	v7 =	vimm.f32 $1.000000000e+00;
	v2 =	vor.u32 $0x10, v1;
	s24 =	simm.s32 $0x1;
	[dreg:$0x10] =	wrdreg s11;
	s1 =	sshrl.u32 @!p2 s1, $0x3  }
0x25: {  	v3 =	vor.u32 $0x20, v1;
	v4 =	vor.u32 $0x30, v1;
	v5 =	vor.u32 $0x40, v1;
	s11 =	simm.s32 $0x17F00;
	[dreg:$0x13] =	wrdreg s1;
	s1 =	simm.s32 $0x80  }
.LBB2_7:
0x26: {  	_ =	swait.ge [sflag:s16], $0x4000  }
0x27: {  	[sflag:s16] =	ssyncset.done $0x0  }
0x28: {  	[sflag:s16] =	ssyncadd.s32 $0xFFFFC000  }
.LBB2_13:
0x29: {  	_ =	swait.ge [sflag:s16], $0x4000  }
0x2a: {  	[sflag:s16] =	ssyncset.done $0x0  }
0x2b: {  	s25 =	simm.s32 $0x0;
	s4 =	rddreg [dreg:$0x14];
	[sflag:s16] =	ssyncadd.s32 $0xFFFFC000  }
0x2c: {  	[tilespmem:s30], [sflag:$0x5] =	stream.linear.gather [hbm4b:s4+s25], $0x8, $0x38;
	[tilespmem:$0x1EB70] =	vst v63  }
0x2d: {  	_ =	swait.ge [sflag:s29], $0x8  }
0x2e: {  	[sflag:s29] =	ssyncset.done $0x0  }
0x2f: {  	s21 =	simm.s32 $0x1E750;
	[sflag:s29] =	ssyncadd.s32 $0xFFFFFFF8  }
0x30: {  	[tilespmem:s21], [sflag:$0x5] =	stream.indirect.gather [hbm4b:s2+s17], $0x1, s30, s17, $0xb8;
	[tilespmem:$0x1EB70] =	vst v63  }
0x31: {  	_ =	swait.ge [sflag:s29], $0x8  }
0x32: {  	[sflag:s29] =	ssyncset.done $0x0  }
0x33: {  	s6 =	simm.s32 $0x1E758;
	[sflag:s29] =	ssyncadd.s32 $0xFFFFFFF8  }
0x34: {  	[tilespmem:s6], [sflag:$0x5] =	stream.indirect.gather [hbm4b:s19+s17], $0x1, s30, s17, $0xb8;
	[tilespmem:$0x1EB70] =	vst v63  }
0x35: {  	_ =	swait.ge [sflag:s29], $0x8  }
0x36: {  	[sflag:s29] =	ssyncset.done $0x0  }
0x37: {  	s18 =	simm.s32 $0x1E760;
	[sflag:s29] =	ssyncadd.s32 $0xFFFFFFF8  }
0x38: {  	[tilespmem:s18], [sflag:$0x5] =	stream.indirect.gather [hbm4b:s19+s17], $0x1, s30, s17, $0xb8;
	[tilespmem:$0x1EB70] =	vst v63  }
0x39: {  	_ =	swait.ge [sflag:s29], $0x8  }
0x3a: {  	[sflag:s29] =	ssyncset.done $0x0  }
0x3b: {  	s26 =	simm.s32 $0x1E770;
	[sflag:s29] =	ssyncadd.s32 $0xFFFFFFF8  }
0x3c: {  	[tilespmem:s26], [sflag:$0x5] =	stream.indirect.gather [hbm4b:s0+s17], $0x80, s21, s17, $0xb8;
	[tilespmem:$0x1EB70] =	vst v63  }
0x3d: {  	_ =	swait.ge [sflag:s29], $0x400  }
0x3e: {  	[sflag:s29] =	ssyncset.done $0x0  }
0x3f: {  	[sflag:s29] =	ssyncadd.s32 $0xFFFFFC00  }
0x40: {  	[spmem:s3] =	stream.indirect.scatter.add.f32 [tilespmem:s26], [sflag:$0x5], $0x80, s6, s17, $0xb8;
	[tilespmem:$0x1EB70] =	vst v63  }
0x41: {  	_ =	swait.ge [sflag:s29], $0x400  }
0x42: {  	[sflag:s29] =	ssyncset.done $0x0  }
0x43: {  	[sflag:s29] =	ssyncadd.s32 $0xFFFFFC00  }
0x44: {  	v8 =	vld [tilespmem:$0x1E760];
	_ =	sdelay $0x7  }
0x45: {  	s20 =	simm.s32 $0x1E700;
	s18 =	simm.s32 $0x50;
	s21 =	smov.u32 s5;
	[tilespmem:v8+s15+$0x0] =	vst.idx.add.f32.msk $0xff, v7  }
0x46: {  	[spmem:s21] =	stream.indirect.scatter.add.f32 [tilespmem:s15], [sflag:$0x5], $0x80, s20, s18, $0xb8;
	[tilespmem:$0x1EB70] =	vst v63  }
0x47: {  	_ =	swait.ge [sflag:s29], $0x2800  }
0x48: {  	[sflag:s29] =	ssyncset.done $0x0  }
0x49: {  	s26 =	stileid.u32;
	[sflag:s29] =	ssyncadd.s32 $0xFFFFD800  }
0x4a: {  	s4 =	sshll.u32 s26, $0x6;
	[bflag:$0x0] =	sbarrier.arrive $0xFFFF  }
0x4b: {  	s5 =	sshrl.u32 s7, $0x3;
	s4 =	sor.u32 $0x1C05, s4;
	s18 =	rddreg [dreg:$0x9]  }
0x4c: {  	[hbm:s18], [sflag:s4] =	dma.local [spmem:s5], $0x800  }
0x4d: {  	_ =	swait.ge [sflag:s29], $0x800  }
0x4e: {  	[sflag:s29] =	ssyncset.done $0x0  }
0x4f: {  	s20 =	sshrl.u32 s8, $0x3;
	s26 =	rddreg [dreg:$0xa];
	[sflag:s29] =	ssyncadd.s32 $0xFFFFF800  }
0x50: {  	[hbm:s26], [sflag:s4] =	dma.local [spmem:s20], $0x800  }
0x51: {  	_ =	swait.ge [sflag:s29], $0x800  }
0x52: {  	[sflag:s29] =	ssyncset.done $0x0  }
0x53: {  	s5 =	sshrl.u32 s9, $0x3;
	s18 =	rddreg [dreg:$0xb];
	[sflag:s29] =	ssyncadd.s32 $0xFFFFF800  }
0x54: {  	[hbm:s18], [sflag:s4] =	dma.local [spmem:s5], $0x800  }
0x55: {  	_ =	swait.ge [sflag:s29], $0x800  }
0x56: {  	[sflag:s29] =	ssyncset.done $0x0  }
0x57: {  	s20 =	sshrl.u32 s10, $0x3;
	s26 =	rddreg [dreg:$0xc];
	[sflag:s29] =	ssyncadd.s32 $0xFFFFF800  }
0x58: {  	[hbm:s26], [sflag:s4] =	dma.local [spmem:s20], $0x800  }
0x59: {  	_ =	swait.ge [sflag:s29], $0x800  }
0x5a: {  	[sflag:s29] =	ssyncset.done $0x0  }
0x5b: {  	s18 =	sshrl.u32 s12, $0x3;
	s20 =	rddreg [dreg:$0xd];
	[sflag:s29] =	ssyncadd.s32 $0xFFFFF800  }
0x5c: {  	[hbm:s20], [sflag:s4] =	dma.local [spmem:s18], $0x700  }
0x5d: {  	_ =	swait.ge [sflag:s29], $0x700  }
0x5e: {  	[sflag:s29] =	ssyncset.done $0x0  }
0x5f: {  	s6 =	sshrl.u32 @p0 s21, $0x3;
	s5 =	rddreg [dreg:$0xf];
	[sflag:s29] =	ssyncadd.s32 $0xFFFFF900  }
0x60: {  	[hbm:s5], [sflag:s4] =	dma.local @p0 [spmem:s6], $0x500  }
0x61: {  	s6 =	simm.s32 @p0 $0x5  }
0x62: {  	_ =	swait.ge @p0 [sflag:s6], $0x500  }
0x63: {  	[sflag:s6] =	ssyncset.done @p0 $0x0;
	s5 =	rddreg [dreg:$0x10]  }
0x64: {  	[sflag:s6] =	ssyncadd.s32 @p0 $0xFFFFFB00;
	s6 =	rddreg [dreg:$0x13]  }
0x65: {  	[hbm:s5], [sflag:s4] =	dma.local @!p2 [spmem:s6], $0x100  }
0x66: {  	s4 =	simm.s32 @!p2 $0x5  }
0x67: {  	_ =	swait.ge @!p2 [sflag:s4], $0x100  }
0x68: {  	s23 =	sadd.s32 $0x1, s23;
	s26 =	rddreg [dreg:$0x12]  }
0x69: {  	p3 =	sne.s32 s23, s26  }
.Ltmp1:
0x6a: {  	_ = 	snop;
	(pc) =	sbr.rel @!p3 .LBB2_14-.Ltmp1, $3  }
0x6b: {  	_ =	sdelay $0x1  }
0x6c: {  	[sflag:s4] =	ssyncset.done @!p2 $0x0  }
0x6d: {  	[sflag:s4] =	ssyncadd.s32 @!p2 $0xFFFFFF00  }
.LBB2_1:
0x6e: {  	s6 =	sand.u32 $0xFE00, s25  }
0x6f: {  	s18 =	sand.u32 $0x70, s25;
	s20 =	sshrl.u32 s6, $0x2  }
0x70: {  	s6 =	simm.s32 $0x40;
	s20 =	sor.u32 s18, s20;
	s18 =	simm.s32 $0x0  }
.LBB2_2:
0x71: {  	p3 =	sne.s32 s6, $0xFFC0  }
0x72: {  	[tilespmem:s20+$0x13F00] =	vst v0;
	s18 =	sadd.s32 $0x10, s18;
	s20 =	smov.u32 s6;
	s6 =	sadd.s32 $0x40, s6  }
.Ltmp2:
0x73: {  	(pc) =	sbr.rel @p3 .LBB2_2-.Ltmp2, $4  }
0x74: {  	_ = 	snop  }
0x75: {  	s20 =	sand.u32 $0xFE00, s20  }
0x76: {  	s25 =	sand.u32 $0x70, s18;
	s20 =	sshrl.u32 s20, $0x2  }
0x77: {  	s20 =	sor.u32 s25, s20  }
0x78: {  	[tilespmem:s20+$0x13F00] =	vst v0  }
0x79: {  	[spmem:s7] =	stream.linear.scatter [tilespmem:s28], [sflag:$0x5], $0x4000, $0x38;
	[tilespmem:$0x1EB70] =	vst v63  }
0x7a: {  	_ =	swait.ge [sflag:s29], $0x4000  }
0x7b: {  	[sflag:s29] =	ssyncset.done $0x0  }
0x7c: {  	[sflag:s29] =	ssyncadd.s32 $0xFFFFC000  }
0x7d: {  	[spmem:s8] =	stream.linear.scatter [tilespmem:s28], [sflag:$0x5], $0x4000, $0x38;
	[tilespmem:$0x1EB70] =	vst v63  }
0x7e: {  	_ =	swait.ge [sflag:s29], $0x4000  }
0x7f: {  	[sflag:s29] =	ssyncset.done $0x0  }
0x80: {  	[sflag:s29] =	ssyncadd.s32 $0xFFFFC000  }
0x81: {  	[spmem:s9] =	stream.linear.scatter [tilespmem:s28], [sflag:$0x5], $0x4000, $0x38;
	[tilespmem:$0x1EB70] =	vst v63  }
0x82: {  	_ =	swait.ge [sflag:s29], $0x4000  }
0x83: {  	[sflag:s29] =	ssyncset.done $0x0  }
0x84: {  	[sflag:s29] =	ssyncadd.s32 $0xFFFFC000  }
0x85: {  	[spmem:s10] =	stream.linear.scatter [tilespmem:s28], [sflag:$0x5], $0x4000, $0x38;
	[tilespmem:$0x1EB70] =	vst v63  }
0x86: {  	_ =	swait.ge [sflag:s29], $0x4000  }
0x87: {  	[sflag:s29] =	ssyncset.done $0x0  }
0x88: {  	s6 =	simm.s32 $0x0;
	[sflag:s29] =	ssyncadd.s32 $0xFFFFC000  }
0x89: {  	[spmem:s12] =	stream.linear.scatter [tilespmem:s28], [sflag:$0x5], $0x4000, $0x38;
	[tilespmem:$0x1EB70] =	vst v63  }
0x8a: {  	s18 =	sand.u32 $0xFE00, s6;
	_ =	swait.ge [sflag:s29], $0x4000  }
0x8b: {  	s26 =	sand.u32 $0x70, s6;
	s25 =	sshrl.u32 s18, $0x2;
	[sflag:s29] =	ssyncset.done $0x0  }
0x8c: {  	s18 =	simm.s32 $0x40;
	s20 =	sor.u32 s26, s25;
	[sflag:s29] =	ssyncadd.s32 $0xFFFFC000  }
.LBB2_4:
0x8d: {  	p3 =	sne.s32 s18, $0x9FC0  }
0x8e: {  	[tilespmem:s20+$0x1BF00] =	vst v0;
	s6 =	sadd.s32 $0x10, s6;
	s20 =	smov.u32 s18;
	s18 =	sadd.s32 $0x40, s18  }
.Ltmp3:
0x8f: {  	(pc) =	sbr.rel @p3 .LBB2_4-.Ltmp3, $4  }
0x90: {  	_ = 	snop  }
0x91: {  	s20 =	sand.u32 $0xFE00, s20  }
0x92: {  	s25 =	sand.u32 $0x70, s6;
	s20 =	sshrl.u32 s20, $0x2  }
0x93: {  	s20 =	sor.u32 s25, s20  }
0x94: {  	[tilespmem:s20+$0x1BF00] =	vst v0;
	s6 =	simm.s32 @!p1 $0x13F00  }
0x95: {  	[spmem:s21] =	stream.linear.scatter @!p1 [tilespmem:s6], [sflag:$0x5], $0x2800, $0x38;
	[tilespmem:$0x1EB70] =	vst v63  }
0x96: {  	s6 =	simm.s32 @!p1 $0x5  }
0x97: {  	_ =	swait.ge @!p1 [sflag:s6], $0x2800  }
0x98: {  	[sflag:s6] =	ssyncset.done @!p1 $0x0  }
0x99: {  	[sflag:s6] =	ssyncadd.s32 @!p1 $0xFFFFD800  }
0x9a: {  	[tilespmem:$0x1E700] =	vst v1  }
0x9b: {  	[tilespmem:$0x1E710] =	vst v2  }
0x9c: {  	[tilespmem:$0x1E720] =	vst v3  }
0x9d: {  	[tilespmem:$0x1E730] =	vst v4  }
0x9e: {  	[tilespmem:$0x1E740] =	vst v5  }
0x9f: {  	[tilespmem:$0x1E760] =	vst v6  }
0xa0: {  	[bflag:$0x0] =	sbarrier.arrive $0xFFFF  }
0xa1: {  	s25 =	simm.s32 $0x0;
	s4 =	rddreg [dreg:$0x7]  }
0xa2: {  	[tilespmem:s30], [sflag:$0x5] =	stream.linear.gather [hbm4b:s4+s25], $0x80, $0x38;
	[tilespmem:$0x1EB70] =	vst v63  }
0xa3: {  	_ =	swait.ge [sflag:s29], $0x80  }
0xa4: {  	[sflag:s29] =	ssyncset.done $0x0  }
0xa5: {  	s6 =	rddreg [dreg:$0x8];
	[sflag:s29] =	ssyncadd.s32 $0xFFFFFF80  }
0xa6: {  	[tilespmem:s31], [sflag:$0x5] =	stream.linear.gather [hbm4b:s6+s25], $0x80, $0x38;
	[tilespmem:$0x1EB70] =	vst v63  }
0xa7: {  	_ =	swait.ge [sflag:s29], $0x80  }
0xa8: {  	[sflag:s29] =	ssyncset.done $0x0  }
0xa9: {  	s18 =	simm.s32 $0x13C00;
	[sflag:s29] =	ssyncadd.s32 $0xFFFFFF80  }
0xaa: {  	[tilespmem:s18], [sflag:$0x5] =	stream.indirect.gather [hbm4b:s2+s1], $0x1, s30, s1, $0xb8;
	[tilespmem:$0x1EB70] =	vst v63  }
0xab: {  	_ =	swait.ge [sflag:s29], $0x80  }
0xac: {  	[sflag:s29] =	ssyncset.done $0x0  }
0xad: {  	s20 =	simm.s32 $0x13D80;
	[sflag:s29] =	ssyncadd.s32 $0xFFFFFF80  }
0xae: {  	[tilespmem:s20], [sflag:$0x5] =	stream.indirect.gather [hbm4b:s19+s1], $0x1, s30, s1, $0xb8;
	[tilespmem:$0x1EB70] =	vst v63  }
0xaf: {  	_ =	swait.ge [sflag:s29], $0x80  }
0xb0: {  	[sflag:s29] =	ssyncset.done $0x0  }
0xb1: {  	[sflag:s29] =	ssyncadd.s32 $0xFFFFFF80  }
0xb2: {  	[tilespmem:s13], [sflag:$0x2] =	stream.indirect.gather [hbm4b:s2+s1], $0x1, s31, s1, $0xb8;
	[tilespmem:$0x1EB70] =	vst v63  }
0xb3: {  	s5 =	smov.u32 s21;
	s21 =	simm.s32 $0x13E00  }
0xb4: {  	[tilespmem:s21], [sflag:$0x2] =	stream.indirect.gather [hbm4b:s19+s1], $0x1, s31, s1, $0xb8;
	[tilespmem:$0x1EB70] =	vst v63  }
.Ltmp4:
0xb5: {  	_ = 	snop;
	(pc) =	sbr.rel .LBB2_6-.Ltmp4, $4  }
0xb6: {  	s26 =	rddreg [dreg:$0xe]  }
0xb7: {  	[tilespmem:s30], [sflag:$0x1] =	stream.linear.gather [hbm4b:s26+s25], $0x80, $0x38;
	[tilespmem:$0x1EB70] =	vst v63  }
0xb8: {  	s26 =	rddreg [dreg:$0x11]  }
0xb9: {  	[tilespmem:s28], [sflag:$0x3] =	stream.indirect.gather [hbm4b:s0+s1], $0x80, s18, s1, $0xb8;
	[tilespmem:$0x1EB70] =	vst v63  }
.LBB2_9:
0xba: {  	[tilespmem:s11], [sflag:$0x3] =	stream.indirect.gather [hbm4b:s0+s1], $0x80, s13, s1, $0xb8;
	[tilespmem:$0x1EB70] =	vst v63  }
.LBB2_11:
0xbb: {  	s4 =	sadd.s32 $0x2, s25  }
0xbc: {  	s21 =	sand.u32 $0xFF, s4  }
0xbd: {  	s21 =	smul.u32 $0xAB, s21;
	_ =	sdelay $0x1  }
0xbe: {  	s21 =	sshrl.u32 s21, $0x9  }
0xbf: {  	s21 =	smul.u32 $0x3, s21;
	_ =	sdelay $0x1  }
0xc0: {  	s4 =	ssub.s32 s4, s21  }
0xc1: {  	_ =	swait.ge [sflag:s24], $0x80;
	s4 =	sand.u32 $0xFF, s4  }
0xc2: {  	s6 =	sshll.u32 s6, $0x7;
	[sflag:s24] =	ssyncset.done $0x0;
	s4 =	sshll.u32 s4, $0x7  }
0xc3: {  	s6 =	sor.u32 $0x13B00, s6;
	[sflag:s24] =	ssyncadd.s32 $0xFFFFFF80;
	s21 =	sadd.s32 $0x13C00, s4  }
0xc4: {  	[tilespmem:s21], [sflag:$0x2] =	stream.indirect.gather [hbm4b:s2+s1], $0x1, s6, s1, $0xb8;
	[tilespmem:$0x1EB70] =	vst v63  }
0xc5: {  	p3 =	sgt.u32 s25, $0x23;
	s4 =	sadd.s32 $0x13D80, s4  }
0xc6: {  	[tilespmem:s4], [sflag:$0x2] =	stream.indirect.gather [hbm4b:s19+s1], $0x1, s6, s1, $0xb8;
	[tilespmem:$0x1EB70] =	vst v63  }
0xc7: {  	s4 =	sshll.u32 @!p3 s20, $0x7  }
0xc8: {  	s6 =	simm.s32 @!p3 $0x0;
	s4 =	sor.u32 @!p3 $0x13B00, s4  }
0xc9: {  	[tilespmem:s4], [sflag:$0x1] =	stream.linear.gather @!p3 [hbm4b:s26+s6], $0x80, $0x38;
	[tilespmem:$0x1EB70] =	vst v63  }
.LBB2_12:
0xca: {  	p3 =	sne.s32 s18, $0x27  }
.Ltmp5:
0xcb: {  	_ = 	snop;
	(pc) =	sbr.rel @!p3 .LBB2_13-.Ltmp5, $2  }
0xcc: {  	_ =	sdelay $0x2  }
0xcd: {  	s26 =	sadd.s32 $0x10, s26;
	s25 =	smov.u32 s18  }
.LBB2_6:
0xce: {  	s6 =	smul.u32 $0xAB, s25;
	_ =	sdelay $0x1  }
0xcf: {  	s6 =	sshrl.u32 s6, $0x9  }
0xd0: {  	s6 =	sand.u32 $0x7F, s6  }
0xd1: {  	s6 =	smul.u32 $0x3, s6;
	_ =	sdelay $0x1  }
0xd2: {  	s18 =	ssub.s32 s25, s6  }
0xd3: {  	_ =	swait.ge [sflag:s14], $0x4000;
	s6 =	sand.u32 $0x1, s25;
	s18 =	sand.u32 $0xFF, s18  }
0xd4: {  	[sflag:s14] =	ssyncset.done $0x0;
	s20 =	sshll.u32 s6, $0xE;
	s18 =	sshll.u32 s18, $0x7  }
0xd5: {  	[sflag:s14] =	ssyncadd.s32 $0xFFFFC000;
	s20 =	sor.u32 $0x13F00, s20;
	s21 =	sadd.s32 $0x13D80, s18  }
0xd6: {  	[spmem:s3] =	stream.indirect.scatter.add.f32 [tilespmem:s20], [sflag:$0x4], $0x80, s21, s1, $0xb8;
	[tilespmem:$0x1EB70] =	vst v63  }
0xd7: {  	v8 =	vld [tilespmem:s18+$0x13D80];
	_ =	sdelay $0x7  }
0xd8: {  	[tilespmem:v8+s15+$0x0] =	vst.idx.add.f32.msk $0xffff, v7  }
0xd9: {  	v8 =	vld [tilespmem:s18+$0x13D90];
	_ =	sdelay $0x7  }
0xda: {  	[tilespmem:v8+s15+$0x0] =	vst.idx.add.f32.msk $0xffff, v7  }
0xdb: {  	v8 =	vld [tilespmem:s18+$0x13DA0];
	_ =	sdelay $0x7  }
0xdc: {  	[tilespmem:v8+s15+$0x0] =	vst.idx.add.f32.msk $0xffff, v7  }
0xdd: {  	v8 =	vld [tilespmem:s18+$0x13DB0];
	_ =	sdelay $0x7  }
0xde: {  	[tilespmem:v8+s15+$0x0] =	vst.idx.add.f32.msk $0xffff, v7  }
0xdf: {  	v8 =	vld [tilespmem:s18+$0x13DC0];
	_ =	sdelay $0x7  }
0xe0: {  	[tilespmem:v8+s15+$0x0] =	vst.idx.add.f32.msk $0xffff, v7  }
0xe1: {  	v8 =	vld [tilespmem:s18+$0x13DD0];
	_ =	sdelay $0x7  }
0xe2: {  	[tilespmem:v8+s15+$0x0] =	vst.idx.add.f32.msk $0xffff, v7  }
0xe3: {  	v8 =	vld [tilespmem:s18+$0x13DE0];
	_ =	sdelay $0x7  }
0xe4: {  	[tilespmem:v8+s15+$0x0] =	vst.idx.add.f32.msk $0xffff, v7  }
0xe5: {  	v8 =	vld [tilespmem:s18+$0x13DF0];
	_ =	sdelay $0x2  }
0xe6: {  	p3 =	sne.s32 s25, $0x26  }
.Ltmp6:
0xe7: {  	_ = 	snop;
	(pc) =	sbr.rel @!p3 .LBB2_7-.Ltmp6, $2  }
0xe8: {  	_ =	sdelay $0x2  }
0xe9: {  	[tilespmem:v8+s15+$0x0] =	vst.idx.add.f32.msk $0xffff, v7  }
0xea: {  	_ =	swait.ge [sflag:s22], $0x80;
	p3 =	sne.s32 s25, $0x0  }
.Ltmp7:
0xeb: {  	[sflag:s22] =	ssyncset.done $0x0;
	(pc) =	sbr.rel @!p3 .LBB2_9-.Ltmp7, $4  }
0xec: {  	[sflag:s22] =	ssyncadd.s32 $0xFFFFFF80  }
0xed: {  	_ =	swait.ge [sflag:s22], $0x80  }
0xee: {  	s18 =	sadd.s32 $0x1, s25;
	[sflag:s22] =	ssyncset.done $0x0  }
0xef: {  	s20 =	sand.u32 $0x1, s18;
	[sflag:s22] =	ssyncadd.s32 $0xFFFFFF80  }
0xf0: {  	s21 =	smul.u32 $0xAB, s18;
	_ =	sdelay $0x1  }
0xf1: {  	s21 =	sshrl.u32 s21, $0x9  }
0xf2: {  	s21 =	sand.u32 $0x7F, s21  }
0xf3: {  	s21 =	smul.u32 $0x3, s21  }
0xf4: {  	p3 =	sgt.u32 s25, $0x24  }
.Ltmp8:
0xf5: {  	s21 =	ssub.s32 s18, s21;
	(pc) =	sbr.rel @p3 .LBB2_12-.Ltmp8, $4  }
.Ltmp9:
0xf6: {  	_ =	swait.ge [sflag:s16], $0x4000;
	s21 =	sand.u32 $0x87, s21;
	(pc) =	sbr.rel @!p3 .LBB2_11-.Ltmp9, $4  }
0xf7: {  	s4 =	sshll.u32 s20, $0xE;
	[sflag:s16] =	ssyncset.done $0x0;
	s21 =	sshll.u32 s21, $0x7  }
0xf8: {  	s4 =	sor.u32 $0x13F00, s4;
	[sflag:s16] =	ssyncadd.s32 $0xFFFFC000;
	s21 =	sor.u32 $0x13C00, s21  }
0xf9: {  	[tilespmem:s4], [sflag:$0x3] =	stream.indirect.gather [hbm4b:s0+s1], $0x80, s21, s1, $0xb8;
	[tilespmem:$0x1EB70] =	vst v63  }
0xfa: {  	_ = 	snop  }
.LBB2_14:
0xfb: {  	_ =	sfence.sel $0x180000  }
0xfc: {  	[bflag:$0x0] =	sbarrier.arrive $0xFFFF  }
0xfd: {  	_ =	strace $0x90000047  }
0xfe: {  	[bflag:$0x2] =	sbarrier.arrive $0xFFFF  }
0xff: {  	s0 =	rddreg [dreg:$0x6]  }
0x100: {  	s0 =	sadd.s32 @!p1 $0x100000, s0  }
0x101: {  	[sflag:s0] =	ssyncadd.tile.s32 @!p1 $0x1;
	_ =	shalt  }
.Lfunc_end2:
_tile_overlayer_lowered:
.L_overlay_start_2:
0x102: {  	(tag) =	ssettag $0x2  }
0x103: {  	s0 =	rddreg [dreg:$0x0];
	s2 =	stileid.u32  }
0x104: {  	s1 =	rddreg [dreg:$0x1];
	p0 =	sne.s32 s2, $0x0  }
0x105: {  	s3 =	rddreg [dreg:$0x2];
	[bflag:$0x3] =	sbarrier.arrive $0xFFFF;
	s2 =	simm.s32 @!p0 $0x1C05  }
0x106: {  	[timem:s3], [sflag:s2] =	dma.local @!p0 [hbm:s0], s1  }
0x107: {  	s0 =	simm.s32 @!p0 $0x5  }
0x108: {  	_ =	swait.ge @!p0 [sflag:s0], s1  }
0x109: {  	s1 =	ssub.s32 @!p0 $0x0, s1;
	[sflag:s0] =	ssyncset.done @!p0 $0x0  }
0x10a: {  	[sflag:s0] =	ssyncadd.s32 @!p0 s1  }
0x10b: {  	[bflag:$0x3] =	sbarrier.arrive $0xFFFF  }
0x10c: {  	_ =	shalt  }

</sc_bundles>
